<compile_context>
chip_gen: v7x
topology: tpu7x:2x2x1
jax: 0.10.2.dev20260603
libtpu: 0.0.44.dev20260713+nightly
codegen_flags: <defaults>
</compile_context>

<pallas_src>
import functools

import jax
import jax.numpy as jnp
from jax import lax
from jax.experimental import pallas as pl
from jax.experimental.pallas import tpu as pltpu
from jax.experimental.pallas import tpu_sc as plsc

N = 10000
E = 320000
D_IN = 128
D = 64
G = 64
STEPS = 3

NC = 2
NS = 16
NW = NC * NS
CHUNK = 128
CHUNKS_PER_W = 80
E_PAD = NW * CHUNK * CHUNKS_PER_W
N_ACC = 10112
INIT_ROWS = N_ACC // NS
OUT_ROWS = N_ACC // NS

BLK = 1000
NBLK = N // BLK


def _dot(a, b):
    return jnp.dot(a, b, preferred_element_type=jnp.float32)


def _dot_hi(a, b):
    return jnp.dot(a, b, preferred_element_type=jnp.float32,
                   precision=lax.Precision.HIGHEST)


def _dot_t_hi(a, b):
    return lax.dot_general(a, b, (((0,), (0,)), ((), ())),
                           preferred_element_type=jnp.float32,
                           precision=lax.Precision.HIGHEST)


def _make_sc_spmem_body(nhalves):
    def body(tab_hbm, zeros_hbm, src_hbm, dst_hbm, out_hbm,
             tab_s, acc, src_v, dst_v, rows_v, rows_w, sem, sem2):
        c = lax.axis_index("c")
        s = lax.axis_index("s")
        wid = c * NS + s
        slab = pl.ds(s * INIT_ROWS, INIT_ROWS)
        pltpu.sync_copy(src_hbm.at[pl.ds(wid * CHUNKS_PER_W, CHUNKS_PER_W)],
                        src_v)
        pltpu.sync_copy(dst_hbm.at[pl.ds(wid * CHUNKS_PER_W, CHUNKS_PER_W)],
                        dst_v)

        for h in range(nhalves):
            pltpu.sync_copy(tab_hbm.at[h].at[slab], tab_s.at[slab])
            pltpu.sync_copy(zeros_hbm.at[slab], acc.at[slab])
            plsc.subcore_barrier()

            pltpu.async_copy(tab_s.at[src_v.at[0]], rows_v, sem)

            def pair(kk, carry):
                a = 2 * kk
                pltpu.make_async_copy(tab_s.at[src_v.at[a]], rows_v,
                                      sem).wait()
                pltpu.async_copy(tab_s.at[src_v.at[a + 1]], rows_w, sem2)
                pltpu.sync_copy(rows_v, acc.at[dst_v.at[a]], add=True)
                pltpu.make_async_copy(tab_s.at[src_v.at[a + 1]], rows_w,
                                      sem2).wait()
                nxt = jnp.minimum(a + 2, CHUNKS_PER_W - 1)
                pltpu.async_copy(tab_s.at[src_v.at[nxt]], rows_v, sem)
                pltpu.sync_copy(rows_w, acc.at[dst_v.at[a + 1]], add=True)
                return carry

            lax.fori_loop(0, CHUNKS_PER_W // 2, pair, 0)
            pltpu.make_async_copy(tab_s.at[src_v.at[0]], rows_v, sem).wait()
            plsc.subcore_barrier()
            pltpu.sync_copy(acc.at[pl.ds(s * OUT_ROWS, OUT_ROWS)],
                            out_hbm.at[h].at[c].at[pl.ds(s * OUT_ROWS,
                                                         OUT_ROWS)])

    return body


@functools.cache
def _get_sc_scatter_spmem(nhalves):
    return pl.kernel(
        _make_sc_spmem_body(nhalves),
        out_type=jax.ShapeDtypeStruct((nhalves, NC, N_ACC, D), jnp.float32),
        mesh=plsc.VectorSubcoreMesh(core_axis_name="c", subcore_axis_name="s",
                                    num_cores=NC, num_subcores=NS),
        scratch_types=[
            pltpu.VMEM_SHARED((N_ACC, D), jnp.float32),
            pltpu.VMEM_SHARED((N_ACC, D), jnp.float32),
            pltpu.VMEM((CHUNKS_PER_W, CHUNK), jnp.int32),
            pltpu.VMEM((CHUNKS_PER_W, CHUNK), jnp.int32),
            pltpu.VMEM((CHUNK, D), jnp.float32),
            pltpu.VMEM((CHUNK, D), jnp.float32),
            pltpu.SemaphoreType.DMA,
            pltpu.SemaphoreType.DMA,
        ],
        compiler_params=pltpu.CompilerParams(use_tc_tiling_on_sc=False),
    )


def _tc_l1_body(agg_ref, x_ref, wra_ref, wrb_ref, wo_ref, b_ref, h_ref):
    aggs_a = agg_ref[0, 0] + agg_ref[0, 1]
    aggs_b = agg_ref[1, 0] + agg_ref[1, 1]
    h_ref[...] = jnp.maximum(
        _dot(aggs_a, wra_ref[...]) + _dot(aggs_b, wrb_ref[...])
        + _dot(x_ref[...], wo_ref[...]) + b_ref[...], 0.0)


_tc_l1 = pl.pallas_call(
    _tc_l1_body,
    grid=(NBLK,),
    in_specs=[
        pl.BlockSpec((2, 2, BLK, D), lambda i: (0, 0, i, 0)),
        pl.BlockSpec((BLK, D_IN), lambda i: (i, 0)),
        pl.BlockSpec((D, D), lambda i: (0, 0)),
        pl.BlockSpec((D, D), lambda i: (0, 0)),
        pl.BlockSpec((D_IN, D), lambda i: (0, 0)),
        pl.BlockSpec((1, D), lambda i: (0, 0)),
    ],
    out_specs=pl.BlockSpec((BLK, D), lambda i: (i, 0)),
    out_shape=jax.ShapeDtypeStruct((N, D), jnp.float32),
)


def _tc_post_body(agg_ref, h1_ref, batch_ref, wr_ref, wo2_ref, b2_ref,
                  wih_ref, whh_ref, bih_ref, bhh_ref, wd_ref, bd_ref,
                  wo_ref, bo_ref, out_ref, h_s, e_s):
    seg = lax.broadcasted_iota(jnp.int32, (1, G), 1)
    bg = bih_ref[...] + bhh_ref[...]

    q_star = jnp.zeros((G, 2 * D), jnp.float32)
    hh = jnp.zeros((G, D), jnp.float32)
    cc = jnp.zeros((G, D), jnp.float32)
    for si in range(STEPS):
        gates = _dot(q_star, wih_ref[...]) + _dot(hh, whh_ref[...]) + bg
        gi = jax.nn.sigmoid(gates[:, 0:D])
        gf = jax.nn.sigmoid(gates[:, D:2 * D])
        gg = jnp.tanh(gates[:, 2 * D:3 * D])
        go = jax.nn.sigmoid(gates[:, 3 * D:4 * D])
        cc = gf * cc + gi * gg
        hh = go * jnp.tanh(cc)

        def pass_a(i, emax_c):
            blk = pl.ds(i * BLK, BLK)
            if si == 0:
                aggs = agg_ref[0, blk, :] + agg_ref[1, blk, :]
                hb = jnp.maximum(
                    _dot(aggs, wr_ref[...])
                    + _dot(h1_ref[blk, :], wo2_ref[...]) + b2_ref[...], 0.0)
                h_s[blk, :] = hb
            else:
                hb = h_s[blk, :]
            mb = batch_ref[blk, :] == seg
            qb = _dot_hi(mb.astype(jnp.float32), hh)
            e = jnp.sum(hb * qb, axis=1, keepdims=True)
            e_s[blk, :] = e
            blkmax = jnp.max(jnp.where(mb, e, -jnp.inf), axis=0,
                             keepdims=True)
            return jnp.maximum(emax_c, blkmax)

        emax = lax.fori_loop(0, NBLK, pass_a,
                             jnp.full((1, G), -jnp.inf, jnp.float32))

        def pass_b(i, carry):
            den_c, run_c = carry
            blk = pl.ds(i * BLK, BLK)
            mb = batch_ref[blk, :] == seg
            m = mb.astype(jnp.float32)
            hb = h_s[blk, :]
            e = e_s[blk, :]
            emaxb = jnp.sum(jnp.where(mb, emax, 0.0), axis=1, keepdims=True)
            eexp = jnp.exp(e - emaxb)
            den_c = den_c + _dot_t_hi(m, eexp)
            run_c = run_c + _dot_t_hi(m, eexp * hb)
            return den_c, run_c

        den, run = lax.fori_loop(
            0, NBLK, pass_b,
            (jnp.zeros((G, 1), jnp.float32), jnp.zeros((G, D), jnp.float32)))
        r = run / jnp.where(den > 0.0, den, 1.0)
        q_star = jnp.concatenate([hh, r], axis=1)

    o = jnp.maximum(_dot(q_star, wd_ref[...]) + bd_ref[...], 0.0)
    out_ref[...] = _dot(o, wo_ref[...]) + bo_ref[...]


_tc_post = pl.pallas_call(
    _tc_post_body,
    out_shape=jax.ShapeDtypeStruct((G, 1), jnp.float32),
    scratch_shapes=[pltpu.VMEM((N, D), jnp.float32),
                    pltpu.VMEM((N, 1), jnp.float32)],
)


def kernel(x, edge_index, batch, W_rel1, W_root1, b1, W_rel2, W_root2, b2,
           W_ih, W_hh, b_ih, b_hh, W_dense, b_dense, W_out, b_out):
    src = edge_index[0].astype(jnp.int32)
    dst = edge_index[1].astype(jnp.int32)
    pad = E_PAD - E
    src_pad = jnp.concatenate([src, jnp.zeros((pad,), jnp.int32)]).reshape(
        NW * CHUNKS_PER_W, CHUNK)
    dst_pad = jnp.concatenate([dst, jnp.full((pad,), N, jnp.int32)]).reshape(
        NW * CHUNKS_PER_W, CHUNK)
    zeros_d = jnp.zeros((N_ACC, D), jnp.float32)
    xtab = jnp.stack([jnp.pad(x[:, :D], ((0, N_ACC - N), (0, 0))),
                      jnp.pad(x[:, D:], ((0, N_ACC - N), (0, 0)))])

    agg1 = _get_sc_scatter_spmem(2)(xtab, zeros_d, src_pad, dst_pad)
    h1 = _tc_l1(agg1, x, W_rel1[:D], W_rel1[D:], W_root1, b1.reshape(1, D))
    h1_pad = jnp.pad(h1, ((0, N_ACC - N), (0, 0)))
    agg2 = _get_sc_scatter_spmem(1)(h1_pad.reshape(1, N_ACC, D), zeros_d,
                                    src_pad, dst_pad).reshape(NC, N_ACC, D)
    out = _tc_post(agg2, h1, batch.astype(jnp.int32).reshape(N, 1),
                   W_rel2, W_root2, b2.reshape(1, D),
                   W_ih.T, W_hh.T, b_ih.reshape(1, 4 * D),
                   b_hh.reshape(1, 4 * D), W_dense, b_dense.reshape(1, D),
                   W_out, b_out.reshape(1, 1))
    return out.reshape(G)

# --- scband reference (transcript-rebuilt; emitter-appended) ---
"""Pipeline reference for scband-base-graph-model-80865644249566 (READ-ONLY COPY).

The authoritative reference and input builder live on the scoring server;
editing this copy changes nothing except your own understanding.
"""

import jax, jax.numpy as jnp
import numpy as np

N = 10000
E = 320000
D_IN = 128
D = 64
G = 64
STEPS = 3


def setup_inputs(seed: int = 0) -> dict:
    key = jax.random.key(seed)
    ks = jax.random.split(key, 20)
    x = jax.random.normal(ks[0], (N, D_IN), dtype=jnp.float32)
    edge_index = jax.random.randint(ks[1], (2, E), 0, N)
    batch = jnp.sort(jax.random.randint(ks[2], (N,), 0, G))
    s = 0.05
    # GraphConv layer 1: in=D_IN, out=D
    W_rel1 = jax.random.normal(ks[3], (D_IN, D), dtype=jnp.float32) * s
    W_root1 = jax.random.normal(ks[4], (D_IN, D), dtype=jnp.float32) * s
    b1 = jnp.zeros((D,), dtype=jnp.float32)
    # GraphConv layer 2: in=D, out=D
    W_rel2 = jax.random.normal(ks[5], (D, D), dtype=jnp.float32) * s
    W_root2 = jax.random.normal(ks[6], (D, D), dtype=jnp.float32) * s
    b2 = jnp.zeros((D,), dtype=jnp.float32)
    # Set2Set LSTM: input 2*D, hidden D (gate order i,f,g,o like torch)
    W_ih = jax.random.normal(ks[7], (4 * D, 2 * D), dtype=jnp.float32) * s
    W_hh = jax.random.normal(ks[8], (4 * D, D), dtype=jnp.float32) * s
    b_ih = jnp.zeros((4 * D,), dtype=jnp.float32)
    b_hh = jnp.zeros((4 * D,), dtype=jnp.float32)
    # dense: 2*D -> D; fc_out: D -> 1
    W_dense = jax.random.normal(ks[9], (2 * D, D), dtype=jnp.float32) * s
    b_dense = jnp.zeros((D,), dtype=jnp.float32)
    W_out = jax.random.normal(ks[10], (D, 1), dtype=jnp.float32) * s
    b_out = jnp.zeros((1,), dtype=jnp.float32)
    return {
        'x': x, 'edge_index': edge_index, 'batch': batch,
        'W_rel1': W_rel1, 'W_root1': W_root1, 'b1': b1,
        'W_rel2': W_rel2, 'W_root2': W_root2, 'b2': b2,
        'W_ih': W_ih, 'W_hh': W_hh, 'b_ih': b_ih, 'b_hh': b_hh,
        'W_dense': W_dense, 'b_dense': b_dense,
        'W_out': W_out, 'b_out': b_out,
    }


def reference(x, edge_index, batch, W_rel1, W_root1, b1, W_rel2, W_root2, b2,
              W_ih, W_hh, b_ih, b_hh, W_dense, b_dense, W_out, b_out):
    src = edge_index[0]
    dst = edge_index[1]

    def graph_conv(h, Wr, Wroot, b):
        agg = jax.ops.segment_sum(h[src], dst, num_segments=N)
        return agg @ Wr + h @ Wroot + b

    h = jax.nn.relu(graph_conv(x, W_rel1, W_root1, b1))
    h = jax.nn.relu(graph_conv(h, W_rel2, W_root2, b2))

    # Set2Set pooling
    q_star = jnp.zeros((G, 2 * D), dtype=h.dtype)
    hh = jnp.zeros((G, D), dtype=h.dtype)
    cc = jnp.zeros((G, D), dtype=h.dtype)
    for _ in range(STEPS):
        gates = q_star @ W_ih.T + hh @ W_hh.T + b_ih + b_hh
        gi, gf, gg, go = jnp.split(gates, 4, axis=-1)
        gi = jax.nn.sigmoid(gi)
        gf = jax.nn.sigmoid(gf)
        gg = jnp.tanh(gg)
        go = jax.nn.sigmoid(go)
        cc = gf * cc + gi * gg
        hh = go * jnp.tanh(cc)
        q = hh
        e = jnp.sum(h * q[batch], axis=-1)
        e_max = jax.ops.segment_max(e, batch, num_segments=G)
        e_exp = jnp.exp(e - e_max[batch])
        denom = jax.ops.segment_sum(e_exp, batch, num_segments=G)
        a = e_exp / denom[batch]
        r = jax.ops.segment_sum(a[:, None] * h, batch, num_segments=G)
        q_star = jnp.concatenate([q, r], axis=-1)

    out = jax.nn.relu(q_star @ W_dense + b_dense)
    out = out @ W_out + b_out
    return out.squeeze(-1)

if __name__ == "__main__":
    import jax
    _d = setup_inputs()
    print(jax.jit(kernel)(*tuple(_d.values())))

</pallas_src>

<mosaic_0001>
#map = affine_map<(d0, d1) -> (0, 0, 0)>
#map1 = affine_map<(d0, d1) -> (0, 0)>
#map2 = affine_map<(d0, d1) -> (0, 0, 0, 0)>
module attributes {stable_mosaic.version = 14 : i64} {
  func.func @body(%arg0: i32, %arg1: i32, %arg2: memref<2x10112x64xf32, #tpu.memory_space<hbm>>, %arg3: memref<10112x64xf32, #tpu.memory_space<hbm>>, %arg4: memref<2560x128xi32, #tpu.memory_space<hbm>>, %arg5: memref<2560x128xi32, #tpu.memory_space<hbm>>, %arg6: memref<2x2x10112x64xf32, #tpu.memory_space<hbm>>, %arg7: memref<10112x64xf32, #tpu.memory_space<vmem_shared>>, %arg8: memref<10112x64xf32, #tpu.memory_space<vmem_shared>>, %arg9: memref<80x128xi32, #tpu.memory_space<vmem>>, %arg10: memref<80x128xi32, #tpu.memory_space<vmem>>, %arg11: memref<128x64xf32, #tpu.memory_space<vmem>>, %arg12: memref<128x64xf32, #tpu.memory_space<vmem>>, %arg13: memref<!tpu.dma_semaphore, #tpu.memory_space<semaphore_mem>>, %arg14: memref<!tpu.dma_semaphore, #tpu.memory_space<semaphore_mem>>) attributes {dimension_semantics = [#tpu.dimension_semantics<core_parallel>, #tpu.dimension_semantics<subcore_parallel>], iteration_bounds = array<i64: 2, 16>, scalar_prefetch = 0 : i64, scratch_operands = 8 : i64, tpu.core_type = #tpu.core_type<sc_vector_subcore>, window_params = [{transform_indices = #map}, {transform_indices = #map1}, {transform_indices = #map1}, {transform_indices = #map1}, {transform_indices = #map2}]} {
    %mul3A = arith.constant 16 : i32
    %mul3A_0 = arith.muli %arg0, %mul3A : i32
    %add3A = arith.addi %mul3A_0, %arg1 : i32
    %mul3A_1 = arith.constant 632 : i32
    %mul3A_2 = arith.muli %arg1, %mul3A_1 : i32
    %mul3A_3 = arith.constant 80 : i32
    %mul3A_4 = arith.muli %add3A, %mul3A_3 : i32
    "tpu.region"() ({
      %run_scoped3A_58 = tpu.sem_alloc : memref<!tpu.dma_semaphore, #tpu.memory_space<semaphore_mem>>
      %dma_start3A_59 = arith.constant 0 : i32
      %dma_start3A_60 = tpu.memref_slice %arg4[%mul3A_4, %dma_start3A_59] : memref<2560x128xi32, #tpu.memory_space<hbm>> -> memref<80x128xi32, #tpu.memory_space<hbm>>
      %dma_start3A_61 = arith.constant 0 : i32
      %dma_start3A_62 = tpu.memref_slice %arg4[%mul3A_4, %dma_start3A_61] : memref<2560x128xi32, #tpu.memory_space<hbm>> -> memref<80x128xi32, #tpu.memory_space<hbm>>
      tpu.enqueue_dma source(%dma_start3A_62 : memref<80x128xi32, #tpu.memory_space<hbm>>) target(%arg9 : memref<80x128xi32, #tpu.memory_space<vmem>>) target_semaphore(%run_scoped3A_58 : memref<!tpu.dma_semaphore, #tpu.memory_space<semaphore_mem>>)
      %dma_wait3A_63 = arith.constant 0 : i32
      %dma_wait3A_64 = tpu.memref_slice %arg4[%mul3A_4, %dma_wait3A_63] : memref<2560x128xi32, #tpu.memory_space<hbm>> -> memref<80x128xi32, #tpu.memory_space<hbm>>
      %dma_wait3A_65 = arith.constant 0 : i32
      %dma_wait3A_66 = tpu.memref_slice %arg4[%mul3A_4, %dma_wait3A_65] : memref<2560x128xi32, #tpu.memory_space<hbm>> -> memref<80x128xi32, #tpu.memory_space<hbm>>
      tpu.wait_dma2 semaphore(%run_scoped3A_58 : memref<!tpu.dma_semaphore, #tpu.memory_space<semaphore_mem>>) src(%dma_wait3A_66 : memref<80x128xi32, #tpu.memory_space<hbm>>) dst(%arg9 : memref<80x128xi32, #tpu.memory_space<vmem>>)
      tpu.yield
    }) : () -> ()
    %mul3A_5 = arith.constant 80 : i32
    %mul3A_6 = arith.muli %add3A, %mul3A_5 : i32
    "tpu.region"() ({
      %run_scoped3A_58 = tpu.sem_alloc : memref<!tpu.dma_semaphore, #tpu.memory_space<semaphore_mem>>
      %dma_start3A_59 = arith.constant 0 : i32
      %dma_start3A_60 = tpu.memref_slice %arg5[%mul3A_6, %dma_start3A_59] : memref<2560x128xi32, #tpu.memory_space<hbm>> -> memref<80x128xi32, #tpu.memory_space<hbm>>
      %dma_start3A_61 = arith.constant 0 : i32
      %dma_start3A_62 = tpu.memref_slice %arg5[%mul3A_6, %dma_start3A_61] : memref<2560x128xi32, #tpu.memory_space<hbm>> -> memref<80x128xi32, #tpu.memory_space<hbm>>
      tpu.enqueue_dma source(%dma_start3A_62 : memref<80x128xi32, #tpu.memory_space<hbm>>) target(%arg10 : memref<80x128xi32, #tpu.memory_space<vmem>>) target_semaphore(%run_scoped3A_58 : memref<!tpu.dma_semaphore, #tpu.memory_space<semaphore_mem>>)
      %dma_wait3A_63 = arith.constant 0 : i32
      %dma_wait3A_64 = tpu.memref_slice %arg5[%mul3A_6, %dma_wait3A_63] : memref<2560x128xi32, #tpu.memory_space<hbm>> -> memref<80x128xi32, #tpu.memory_space<hbm>>
      %dma_wait3A_65 = arith.constant 0 : i32
      %dma_wait3A_66 = tpu.memref_slice %arg5[%mul3A_6, %dma_wait3A_65] : memref<2560x128xi32, #tpu.memory_space<hbm>> -> memref<80x128xi32, #tpu.memory_space<hbm>>
      tpu.wait_dma2 semaphore(%run_scoped3A_58 : memref<!tpu.dma_semaphore, #tpu.memory_space<semaphore_mem>>) src(%dma_wait3A_66 : memref<80x128xi32, #tpu.memory_space<hbm>>) dst(%arg10 : memref<80x128xi32, #tpu.memory_space<vmem>>)
      tpu.yield
    }) : () -> ()
    %run_scoped3A = arith.constant 0 : i32
    "tpu.region"() ({
      %run_scoped3A_58 = tpu.sem_alloc : memref<!tpu.dma_semaphore, #tpu.memory_space<semaphore_mem>>
      %dma_start3A_59 = arith.constant 0 : i32
      %dma_start3A_60 = tpu.memref_slice %arg7[%mul3A_2, %dma_start3A_59] : memref<10112x64xf32, #tpu.memory_space<vmem_shared>> -> memref<632x64xf32, #tpu.memory_space<vmem_shared>>
      %dma_start3A_61 = arith.constant 0 : i32
      %dma_start3A_62 = arith.constant 0 : i32
      %dma_start3A_63 = tpu.memref_slice %arg2[%run_scoped3A, %dma_start3A_61, %dma_start3A_62] : memref<2x10112x64xf32, #tpu.memory_space<hbm>> -> memref<1x10112x64xf32, #tpu.memory_space<hbm>>
      %dma_start3A_64 = tpu.memref_squeeze %dma_start3A_63 : memref<1x10112x64xf32, #tpu.memory_space<hbm>> -> memref<10112x64xf32, #tpu.memory_space<hbm>>
      %dma_start3A_65 = arith.constant 0 : i32
      %dma_start3A_66 = tpu.memref_slice %dma_start3A_64[%mul3A_2, %dma_start3A_65] : memref<10112x64xf32, #tpu.memory_space<hbm>> -> memref<632x64xf32, #tpu.memory_space<hbm>>
      tpu.enqueue_dma source(%dma_start3A_66 : memref<632x64xf32, #tpu.memory_space<hbm>>) target(%dma_start3A_60 : memref<632x64xf32, #tpu.memory_space<vmem_shared>>) target_semaphore(%run_scoped3A_58 : memref<!tpu.dma_semaphore, #tpu.memory_space<semaphore_mem>>)
      %dma_wait3A_67 = arith.constant 0 : i32
      %dma_wait3A_68 = tpu.memref_slice %arg7[%mul3A_2, %dma_wait3A_67] : memref<10112x64xf32, #tpu.memory_space<vmem_shared>> -> memref<632x64xf32, #tpu.memory_space<vmem_shared>>
      %dma_wait3A_69 = arith.constant 0 : i32
      %dma_wait3A_70 = arith.constant 0 : i32
      %dma_wait3A_71 = tpu.memref_slice %arg2[%run_scoped3A, %dma_wait3A_69, %dma_wait3A_70] : memref<2x10112x64xf32, #tpu.memory_space<hbm>> -> memref<1x10112x64xf32, #tpu.memory_space<hbm>>
      %dma_wait3A_72 = tpu.memref_squeeze %dma_wait3A_71 : memref<1x10112x64xf32, #tpu.memory_space<hbm>> -> memref<10112x64xf32, #tpu.memory_space<hbm>>
      %dma_wait3A_73 = arith.constant 0 : i32
      %dma_wait3A_74 = tpu.memref_slice %dma_wait3A_72[%mul3A_2, %dma_wait3A_73] : memref<10112x64xf32, #tpu.memory_space<hbm>> -> memref<632x64xf32, #tpu.memory_space<hbm>>
      tpu.wait_dma2 semaphore(%run_scoped3A_58 : memref<!tpu.dma_semaphore, #tpu.memory_space<semaphore_mem>>) src(%dma_wait3A_74 : memref<632x64xf32, #tpu.memory_space<hbm>>) dst(%dma_wait3A_68 : memref<632x64xf32, #tpu.memory_space<vmem_shared>>)
      tpu.yield
    }) : () -> ()
    "tpu.region"() ({
      %run_scoped3A_58 = tpu.sem_alloc : memref<!tpu.dma_semaphore, #tpu.memory_space<semaphore_mem>>
      %dma_start3A_59 = arith.constant 0 : i32
      %dma_start3A_60 = tpu.memref_slice %arg8[%mul3A_2, %dma_start3A_59] : memref<10112x64xf32, #tpu.memory_space<vmem_shared>> -> memref<632x64xf32, #tpu.memory_space<vmem_shared>>
      %dma_start3A_61 = arith.constant 0 : i32
      %dma_start3A_62 = tpu.memref_slice %arg3[%mul3A_2, %dma_start3A_61] : memref<10112x64xf32, #tpu.memory_space<hbm>> -> memref<632x64xf32, #tpu.memory_space<hbm>>
      tpu.enqueue_dma source(%dma_start3A_62 : memref<632x64xf32, #tpu.memory_space<hbm>>) target(%dma_start3A_60 : memref<632x64xf32, #tpu.memory_space<vmem_shared>>) target_semaphore(%run_scoped3A_58 : memref<!tpu.dma_semaphore, #tpu.memory_space<semaphore_mem>>)
      %dma_wait3A_63 = arith.constant 0 : i32
      %dma_wait3A_64 = tpu.memref_slice %arg8[%mul3A_2, %dma_wait3A_63] : memref<10112x64xf32, #tpu.memory_space<vmem_shared>> -> memref<632x64xf32, #tpu.memory_space<vmem_shared>>
      %dma_wait3A_65 = arith.constant 0 : i32
      %dma_wait3A_66 = tpu.memref_slice %arg3[%mul3A_2, %dma_wait3A_65] : memref<10112x64xf32, #tpu.memory_space<hbm>> -> memref<632x64xf32, #tpu.memory_space<hbm>>
      tpu.wait_dma2 semaphore(%run_scoped3A_58 : memref<!tpu.dma_semaphore, #tpu.memory_space<semaphore_mem>>) src(%dma_wait3A_66 : memref<632x64xf32, #tpu.memory_space<hbm>>) dst(%dma_wait3A_64 : memref<632x64xf32, #tpu.memory_space<vmem_shared>>)
      tpu.yield
    }) : () -> ()
    %barrier3A = arith.constant 0 : index
    tpu.barrier barrier_id(%barrier3A)
    %dma_start3A = arith.constant 0 : i32
    %dma_start3A_7 = arith.constant 0 : i32
    %dma_start3A_8 = tpu.memref_slice %arg9[%dma_start3A, %dma_start3A_7] : memref<80x128xi32, #tpu.memory_space<vmem>> -> memref<1x128xi32, #tpu.memory_space<vmem>>
    %dma_start3A_9 = tpu.memref_squeeze %dma_start3A_8 : memref<1x128xi32, #tpu.memory_space<vmem>> -> memref<128xi32, #tpu.memory_space<vmem>>
    %dma_start3A_10 = arith.constant 0 : i32
    %dma_start3A_11 = arith.constant 0 : i32
    %dma_start3A_12 = tpu.memref_slice %arg7[%dma_start3A_10, %dma_start3A_11] : memref<10112x64xf32, #tpu.memory_space<vmem_shared>> -> memref<10112x64xf32, #tpu.memory_space<vmem_shared>>
    tpu.enqueue_indirect_dma source(%dma_start3A_12 : memref<10112x64xf32, #tpu.memory_space<vmem_shared>>) target(%arg11 : memref<128x64xf32, #tpu.memory_space<vmem>>) offsets(%dma_start3A_9 : memref<128xi32, #tpu.memory_space<vmem>>) semaphore(%arg13 : memref<!tpu.dma_semaphore, #tpu.memory_space<semaphore_mem>>)
    %scan3A = arith.constant 0 : i32
    %scan3A_13 = arith.constant 0 : i32
    %scan3A_14 = arith.constant 40 : i32
    %scan3A_15 = arith.addi %scan3A_13, %scan3A_14 : i32
    %scan3A_16 = arith.constant 1 : i32
    scf.for %scan3A_58 = %scan3A_13 to %scan3A_15 step %scan3A_16  : i32 {
      %mul3A_59 = arith.constant 2 : i32
      %mul3A_60 = arith.muli %mul3A_59, %scan3A_58 : i32
      %dma_wait3A_61 = arith.constant 0 : i32
      %dma_wait3A_62 = tpu.memref_slice %arg9[%mul3A_60, %dma_wait3A_61] : memref<80x128xi32, #tpu.memory_space<vmem>> -> memref<1x128xi32, #tpu.memory_space<vmem>>
      %dma_wait3A_63 = tpu.memref_squeeze %dma_wait3A_62 : memref<1x128xi32, #tpu.memory_space<vmem>> -> memref<128xi32, #tpu.memory_space<vmem>>
      %dma_wait3A_64 = arith.constant 0 : i32
      %dma_wait3A_65 = arith.constant 0 : i32
      %dma_wait3A_66 = tpu.memref_slice %arg7[%dma_wait3A_64, %dma_wait3A_65] : memref<10112x64xf32, #tpu.memory_space<vmem_shared>> -> memref<10112x64xf32, #tpu.memory_space<vmem_shared>>
      tpu.wait_indirect_dma semaphore(%arg13 : memref<!tpu.dma_semaphore, #tpu.memory_space<semaphore_mem>>) src(%dma_wait3A_66 : memref<10112x64xf32, #tpu.memory_space<vmem_shared>>) dst(%arg11 : memref<128x64xf32, #tpu.memory_space<vmem>>)
      %add3A_67 = arith.constant 1 : i32
      %add3A_68 = arith.addi %mul3A_60, %add3A_67 : i32
      %dma_start3A_69 = arith.constant 0 : i32
      %dma_start3A_70 = tpu.memref_slice %arg9[%add3A_68, %dma_start3A_69] : memref<80x128xi32, #tpu.memory_space<vmem>> -> memref<1x128xi32, #tpu.memory_space<vmem>>
      %dma_start3A_71 = tpu.memref_squeeze %dma_start3A_70 : memref<1x128xi32, #tpu.memory_space<vmem>> -> memref<128xi32, #tpu.memory_space<vmem>>
      %dma_start3A_72 = arith.constant 0 : i32
      %dma_start3A_73 = arith.constant 0 : i32
      %dma_start3A_74 = tpu.memref_slice %arg7[%dma_start3A_72, %dma_start3A_73] : memref<10112x64xf32, #tpu.memory_space<vmem_shared>> -> memref<10112x64xf32, #tpu.memory_space<vmem_shared>>
      tpu.enqueue_indirect_dma source(%dma_start3A_74 : memref<10112x64xf32, #tpu.memory_space<vmem_shared>>) target(%arg12 : memref<128x64xf32, #tpu.memory_space<vmem>>) offsets(%dma_start3A_71 : memref<128xi32, #tpu.memory_space<vmem>>) semaphore(%arg14 : memref<!tpu.dma_semaphore, #tpu.memory_space<semaphore_mem>>)
      "tpu.region"() ({
        %run_scoped3A_94 = tpu.sem_alloc : memref<!tpu.dma_semaphore, #tpu.memory_space<semaphore_mem>>
        %dma_start3A_95 = arith.constant 0 : i32
        %dma_start3A_96 = tpu.memref_slice %arg10[%mul3A_60, %dma_start3A_95] : memref<80x128xi32, #tpu.memory_space<vmem>> -> memref<1x128xi32, #tpu.memory_space<vmem>>
        %dma_start3A_97 = tpu.memref_squeeze %dma_start3A_96 : memref<1x128xi32, #tpu.memory_space<vmem>> -> memref<128xi32, #tpu.memory_space<vmem>>
        %dma_start3A_98 = arith.constant 0 : i32
        %dma_start3A_99 = arith.constant 0 : i32
        %dma_start3A_100 = tpu.memref_slice %arg8[%dma_start3A_98, %dma_start3A_99] : memref<10112x64xf32, #tpu.memory_space<vmem_shared>> -> memref<10112x64xf32, #tpu.memory_space<vmem_shared>>
        tpu.enqueue_indirect_dma source(%arg11 : memref<128x64xf32, #tpu.memory_space<vmem>>) target(%dma_start3A_100 : memref<10112x64xf32, #tpu.memory_space<vmem_shared>>) offsets(%dma_start3A_97 : memref<128xi32, #tpu.memory_space<vmem>>) semaphore(%run_scoped3A_94 : memref<!tpu.dma_semaphore, #tpu.memory_space<semaphore_mem>>) {add = true}
        %dma_wait3A_101 = arith.constant 0 : i32
        %dma_wait3A_102 = tpu.memref_slice %arg10[%mul3A_60, %dma_wait3A_101] : memref<80x128xi32, #tpu.memory_space<vmem>> -> memref<1x128xi32, #tpu.memory_space<vmem>>
        %dma_wait3A_103 = tpu.memref_squeeze %dma_wait3A_102 : memref<1x128xi32, #tpu.memory_space<vmem>> -> memref<128xi32, #tpu.memory_space<vmem>>
        %dma_wait3A_104 = arith.constant 0 : i32
        %dma_wait3A_105 = arith.constant 0 : i32
        %dma_wait3A_106 = tpu.memref_slice %arg8[%dma_wait3A_104, %dma_wait3A_105] : memref<10112x64xf32, #tpu.memory_space<vmem_shared>> -> memref<10112x64xf32, #tpu.memory_space<vmem_shared>>
        tpu.wait_indirect_dma semaphore(%run_scoped3A_94 : memref<!tpu.dma_semaphore, #tpu.memory_space<semaphore_mem>>) src(%arg11 : memref<128x64xf32, #tpu.memory_space<vmem>>) dst(%dma_wait3A_106 : memref<10112x64xf32, #tpu.memory_space<vmem_shared>>)
        tpu.yield
      }) : () -> ()
      %add3A_75 = arith.constant 1 : i32
      %add3A_76 = arith.addi %mul3A_60, %add3A_75 : i32
      %dma_wait3A_77 = arith.constant 0 : i32
      %dma_wait3A_78 = tpu.memref_slice %arg9[%add3A_76, %dma_wait3A_77] : memref<80x128xi32, #tpu.memory_space<vmem>> -> memref<1x128xi32, #tpu.memory_space<vmem>>
      %dma_wait3A_79 = tpu.memref_squeeze %dma_wait3A_78 : memref<1x128xi32, #tpu.memory_space<vmem>> -> memref<128xi32, #tpu.memory_space<vmem>>
      %dma_wait3A_80 = arith.constant 0 : i32
      %dma_wait3A_81 = arith.constant 0 : i32
      %dma_wait3A_82 = tpu.memref_slice %arg7[%dma_wait3A_80, %dma_wait3A_81] : memref<10112x64xf32, #tpu.memory_space<vmem_shared>> -> memref<10112x64xf32, #tpu.memory_space<vmem_shared>>
      tpu.wait_indirect_dma semaphore(%arg14 : memref<!tpu.dma_semaphore, #tpu.memory_space<semaphore_mem>>) src(%dma_wait3A_82 : memref<10112x64xf32, #tpu.memory_space<vmem_shared>>) dst(%arg12 : memref<128x64xf32, #tpu.memory_space<vmem>>)
      %add3A_83 = arith.constant 2 : i32
      %add3A_84 = arith.addi %mul3A_60, %add3A_83 : i32
      %min3A = arith.constant 79 : i32
      %min3A_85 = arith.minsi %add3A_84, %min3A : i32
      %dma_start3A_86 = arith.constant 0 : i32
      %dma_start3A_87 = tpu.memref_slice %arg9[%min3A_85, %dma_start3A_86] : memref<80x128xi32, #tpu.memory_space<vmem>> -> memref<1x128xi32, #tpu.memory_space<vmem>>
      %dma_start3A_88 = tpu.memref_squeeze %dma_start3A_87 : memref<1x128xi32, #tpu.memory_space<vmem>> -> memref<128xi32, #tpu.memory_space<vmem>>
      %dma_start3A_89 = arith.constant 0 : i32
      %dma_start3A_90 = arith.constant 0 : i32
      %dma_start3A_91 = tpu.memref_slice %arg7[%dma_start3A_89, %dma_start3A_90] : memref<10112x64xf32, #tpu.memory_space<vmem_shared>> -> memref<10112x64xf32, #tpu.memory_space<vmem_shared>>
      tpu.enqueue_indirect_dma source(%dma_start3A_91 : memref<10112x64xf32, #tpu.memory_space<vmem_shared>>) target(%arg11 : memref<128x64xf32, #tpu.memory_space<vmem>>) offsets(%dma_start3A_88 : memref<128xi32, #tpu.memory_space<vmem>>) semaphore(%arg13 : memref<!tpu.dma_semaphore, #tpu.memory_space<semaphore_mem>>)
      %add3A_92 = arith.constant 1 : i32
      %add3A_93 = arith.addi %mul3A_60, %add3A_92 : i32
      "tpu.region"() ({
        %run_scoped3A_94 = tpu.sem_alloc : memref<!tpu.dma_semaphore, #tpu.memory_space<semaphore_mem>>
        %dma_start3A_95 = arith.constant 0 : i32
        %dma_start3A_96 = tpu.memref_slice %arg10[%add3A_93, %dma_start3A_95] : memref<80x128xi32, #tpu.memory_space<vmem>> -> memref<1x128xi32, #tpu.memory_space<vmem>>
        %dma_start3A_97 = tpu.memref_squeeze %dma_start3A_96 : memref<1x128xi32, #tpu.memory_space<vmem>> -> memref<128xi32, #tpu.memory_space<vmem>>
        %dma_start3A_98 = arith.constant 0 : i32
        %dma_start3A_99 = arith.constant 0 : i32
        %dma_start3A_100 = tpu.memref_slice %arg8[%dma_start3A_98, %dma_start3A_99] : memref<10112x64xf32, #tpu.memory_space<vmem_shared>> -> memref<10112x64xf32, #tpu.memory_space<vmem_shared>>
        tpu.enqueue_indirect_dma source(%arg12 : memref<128x64xf32, #tpu.memory_space<vmem>>) target(%dma_start3A_100 : memref<10112x64xf32, #tpu.memory_space<vmem_shared>>) offsets(%dma_start3A_97 : memref<128xi32, #tpu.memory_space<vmem>>) semaphore(%run_scoped3A_94 : memref<!tpu.dma_semaphore, #tpu.memory_space<semaphore_mem>>) {add = true}
        %dma_wait3A_101 = arith.constant 0 : i32
        %dma_wait3A_102 = tpu.memref_slice %arg10[%add3A_93, %dma_wait3A_101] : memref<80x128xi32, #tpu.memory_space<vmem>> -> memref<1x128xi32, #tpu.memory_space<vmem>>
        %dma_wait3A_103 = tpu.memref_squeeze %dma_wait3A_102 : memref<1x128xi32, #tpu.memory_space<vmem>> -> memref<128xi32, #tpu.memory_space<vmem>>
        %dma_wait3A_104 = arith.constant 0 : i32
        %dma_wait3A_105 = arith.constant 0 : i32
        %dma_wait3A_106 = tpu.memref_slice %arg8[%dma_wait3A_104, %dma_wait3A_105] : memref<10112x64xf32, #tpu.memory_space<vmem_shared>> -> memref<10112x64xf32, #tpu.memory_space<vmem_shared>>
        tpu.wait_indirect_dma semaphore(%run_scoped3A_94 : memref<!tpu.dma_semaphore, #tpu.memory_space<semaphore_mem>>) src(%arg12 : memref<128x64xf32, #tpu.memory_space<vmem>>) dst(%dma_wait3A_106 : memref<10112x64xf32, #tpu.memory_space<vmem_shared>>)
        tpu.yield
      }) : () -> ()
    }
    %scan3A_17 = arith.constant 40 : i32
    %dma_wait3A = arith.constant 0 : i32
    %dma_wait3A_18 = arith.constant 0 : i32
    %dma_wait3A_19 = tpu.memref_slice %arg9[%dma_wait3A, %dma_wait3A_18] : memref<80x128xi32, #tpu.memory_space<vmem>> -> memref<1x128xi32, #tpu.memory_space<vmem>>
    %dma_wait3A_20 = tpu.memref_squeeze %dma_wait3A_19 : memref<1x128xi32, #tpu.memory_space<vmem>> -> memref<128xi32, #tpu.memory_space<vmem>>
    %dma_wait3A_21 = arith.constant 0 : i32
    %dma_wait3A_22 = arith.constant 0 : i32
    %dma_wait3A_23 = tpu.memref_slice %arg7[%dma_wait3A_21, %dma_wait3A_22] : memref<10112x64xf32, #tpu.memory_space<vmem_shared>> -> memref<10112x64xf32, #tpu.memory_space<vmem_shared>>
    tpu.wait_indirect_dma semaphore(%arg13 : memref<!tpu.dma_semaphore, #tpu.memory_space<semaphore_mem>>) src(%dma_wait3A_23 : memref<10112x64xf32, #tpu.memory_space<vmem_shared>>) dst(%arg11 : memref<128x64xf32, #tpu.memory_space<vmem>>)
    %barrier3A_24 = arith.constant 0 : index
    tpu.barrier barrier_id(%barrier3A_24)
    %mul3A_25 = arith.constant 632 : i32
    %mul3A_26 = arith.muli %arg1, %mul3A_25 : i32
    %mul3A_27 = arith.constant 632 : i32
    %mul3A_28 = arith.muli %arg1, %mul3A_27 : i32
    %run_scoped3A_29 = arith.constant 0 : i32
    "tpu.region"() ({
      %run_scoped3A_58 = tpu.sem_alloc : memref<!tpu.dma_semaphore, #tpu.memory_space<semaphore_mem>>
      %dma_start3A_59 = arith.constant 0 : i32
      %dma_start3A_60 = arith.constant 0 : i32
      %dma_start3A_61 = arith.constant 0 : i32
      %dma_start3A_62 = tpu.memref_slice %arg6[%run_scoped3A_29, %dma_start3A_59, %dma_start3A_60, %dma_start3A_61] : memref<2x2x10112x64xf32, #tpu.memory_space<hbm>> -> memref<1x2x10112x64xf32, #tpu.memory_space<hbm>>
      %dma_start3A_63 = tpu.memref_squeeze %dma_start3A_62 : memref<1x2x10112x64xf32, #tpu.memory_space<hbm>> -> memref<2x10112x64xf32, #tpu.memory_space<hbm>>
      %dma_start3A_64 = arith.constant 0 : i32
      %dma_start3A_65 = arith.constant 0 : i32
      %dma_start3A_66 = tpu.memref_slice %dma_start3A_63[%arg0, %dma_start3A_64, %dma_start3A_65] : memref<2x10112x64xf32, #tpu.memory_space<hbm>> -> memref<1x10112x64xf32, #tpu.memory_space<hbm>>
      %dma_start3A_67 = tpu.memref_squeeze %dma_start3A_66 : memref<1x10112x64xf32, #tpu.memory_space<hbm>> -> memref<10112x64xf32, #tpu.memory_space<hbm>>
      %dma_start3A_68 = arith.constant 0 : i32
      %dma_start3A_69 = tpu.memref_slice %dma_start3A_67[%mul3A_28, %dma_start3A_68] : memref<10112x64xf32, #tpu.memory_space<hbm>> -> memref<632x64xf32, #tpu.memory_space<hbm>>
      %dma_start3A_70 = arith.constant 0 : i32
      %dma_start3A_71 = tpu.memref_slice %arg8[%mul3A_26, %dma_start3A_70] : memref<10112x64xf32, #tpu.memory_space<vmem_shared>> -> memref<632x64xf32, #tpu.memory_space<vmem_shared>>
      tpu.enqueue_dma source(%dma_start3A_71 : memref<632x64xf32, #tpu.memory_space<vmem_shared>>) target(%dma_start3A_69 : memref<632x64xf32, #tpu.memory_space<hbm>>) target_semaphore(%run_scoped3A_58 : memref<!tpu.dma_semaphore, #tpu.memory_space<semaphore_mem>>)
      %dma_wait3A_72 = arith.constant 0 : i32
      %dma_wait3A_73 = arith.constant 0 : i32
      %dma_wait3A_74 = arith.constant 0 : i32
      %dma_wait3A_75 = tpu.memref_slice %arg6[%run_scoped3A_29, %dma_wait3A_72, %dma_wait3A_73, %dma_wait3A_74] : memref<2x2x10112x64xf32, #tpu.memory_space<hbm>> -> memref<1x2x10112x64xf32, #tpu.memory_space<hbm>>
      %dma_wait3A_76 = tpu.memref_squeeze %dma_wait3A_75 : memref<1x2x10112x64xf32, #tpu.memory_space<hbm>> -> memref<2x10112x64xf32, #tpu.memory_space<hbm>>
      %dma_wait3A_77 = arith.constant 0 : i32
      %dma_wait3A_78 = arith.constant 0 : i32
      %dma_wait3A_79 = tpu.memref_slice %dma_wait3A_76[%arg0, %dma_wait3A_77, %dma_wait3A_78] : memref<2x10112x64xf32, #tpu.memory_space<hbm>> -> memref<1x10112x64xf32, #tpu.memory_space<hbm>>
      %dma_wait3A_80 = tpu.memref_squeeze %dma_wait3A_79 : memref<1x10112x64xf32, #tpu.memory_space<hbm>> -> memref<10112x64xf32, #tpu.memory_space<hbm>>
      %dma_wait3A_81 = arith.constant 0 : i32
      %dma_wait3A_82 = tpu.memref_slice %dma_wait3A_80[%mul3A_28, %dma_wait3A_81] : memref<10112x64xf32, #tpu.memory_space<hbm>> -> memref<632x64xf32, #tpu.memory_space<hbm>>
      %dma_wait3A_83 = arith.constant 0 : i32
      %dma_wait3A_84 = tpu.memref_slice %arg8[%mul3A_26, %dma_wait3A_83] : memref<10112x64xf32, #tpu.memory_space<vmem_shared>> -> memref<632x64xf32, #tpu.memory_space<vmem_shared>>
      tpu.wait_dma2 semaphore(%run_scoped3A_58 : memref<!tpu.dma_semaphore, #tpu.memory_space<semaphore_mem>>) src(%dma_wait3A_84 : memref<632x64xf32, #tpu.memory_space<vmem_shared>>) dst(%dma_wait3A_82 : memref<632x64xf32, #tpu.memory_space<hbm>>)
      tpu.yield
    }) : () -> ()
    %run_scoped3A_30 = arith.constant 1 : i32
    "tpu.region"() ({
      %run_scoped3A_58 = tpu.sem_alloc : memref<!tpu.dma_semaphore, #tpu.memory_space<semaphore_mem>>
      %dma_start3A_59 = arith.constant 0 : i32
      %dma_start3A_60 = tpu.memref_slice %arg7[%mul3A_2, %dma_start3A_59] : memref<10112x64xf32, #tpu.memory_space<vmem_shared>> -> memref<632x64xf32, #tpu.memory_space<vmem_shared>>
      %dma_start3A_61 = arith.constant 0 : i32
      %dma_start3A_62 = arith.constant 0 : i32
      %dma_start3A_63 = tpu.memref_slice %arg2[%run_scoped3A_30, %dma_start3A_61, %dma_start3A_62] : memref<2x10112x64xf32, #tpu.memory_space<hbm>> -> memref<1x10112x64xf32, #tpu.memory_space<hbm>>
      %dma_start3A_64 = tpu.memref_squeeze %dma_start3A_63 : memref<1x10112x64xf32, #tpu.memory_space<hbm>> -> memref<10112x64xf32, #tpu.memory_space<hbm>>
      %dma_start3A_65 = arith.constant 0 : i32
      %dma_start3A_66 = tpu.memref_slice %dma_start3A_64[%mul3A_2, %dma_start3A_65] : memref<10112x64xf32, #tpu.memory_space<hbm>> -> memref<632x64xf32, #tpu.memory_space<hbm>>
      tpu.enqueue_dma source(%dma_start3A_66 : memref<632x64xf32, #tpu.memory_space<hbm>>) target(%dma_start3A_60 : memref<632x64xf32, #tpu.memory_space<vmem_shared>>) target_semaphore(%run_scoped3A_58 : memref<!tpu.dma_semaphore, #tpu.memory_space<semaphore_mem>>)
      %dma_wait3A_67 = arith.constant 0 : i32
      %dma_wait3A_68 = tpu.memref_slice %arg7[%mul3A_2, %dma_wait3A_67] : memref<10112x64xf32, #tpu.memory_space<vmem_shared>> -> memref<632x64xf32, #tpu.memory_space<vmem_shared>>
      %dma_wait3A_69 = arith.constant 0 : i32
      %dma_wait3A_70 = arith.constant 0 : i32
      %dma_wait3A_71 = tpu.memref_slice %arg2[%run_scoped3A_30, %dma_wait3A_69, %dma_wait3A_70] : memref<2x10112x64xf32, #tpu.memory_space<hbm>> -> memref<1x10112x64xf32, #tpu.memory_space<hbm>>
      %dma_wait3A_72 = tpu.memref_squeeze %dma_wait3A_71 : memref<1x10112x64xf32, #tpu.memory_space<hbm>> -> memref<10112x64xf32, #tpu.memory_space<hbm>>
      %dma_wait3A_73 = arith.constant 0 : i32
      %dma_wait3A_74 = tpu.memref_slice %dma_wait3A_72[%mul3A_2, %dma_wait3A_73] : memref<10112x64xf32, #tpu.memory_space<hbm>> -> memref<632x64xf32, #tpu.memory_space<hbm>>
      tpu.wait_dma2 semaphore(%run_scoped3A_58 : memref<!tpu.dma_semaphore, #tpu.memory_space<semaphore_mem>>) src(%dma_wait3A_74 : memref<632x64xf32, #tpu.memory_space<hbm>>) dst(%dma_wait3A_68 : memref<632x64xf32, #tpu.memory_space<vmem_shared>>)
      tpu.yield
    }) : () -> ()
    "tpu.region"() ({
      %run_scoped3A_58 = tpu.sem_alloc : memref<!tpu.dma_semaphore, #tpu.memory_space<semaphore_mem>>
      %dma_start3A_59 = arith.constant 0 : i32
      %dma_start3A_60 = tpu.memref_slice %arg8[%mul3A_2, %dma_start3A_59] : memref<10112x64xf32, #tpu.memory_space<vmem_shared>> -> memref<632x64xf32, #tpu.memory_space<vmem_shared>>
      %dma_start3A_61 = arith.constant 0 : i32
      %dma_start3A_62 = tpu.memref_slice %arg3[%mul3A_2, %dma_start3A_61] : memref<10112x64xf32, #tpu.memory_space<hbm>> -> memref<632x64xf32, #tpu.memory_space<hbm>>
      tpu.enqueue_dma source(%dma_start3A_62 : memref<632x64xf32, #tpu.memory_space<hbm>>) target(%dma_start3A_60 : memref<632x64xf32, #tpu.memory_space<vmem_shared>>) target_semaphore(%run_scoped3A_58 : memref<!tpu.dma_semaphore, #tpu.memory_space<semaphore_mem>>)
      %dma_wait3A_63 = arith.constant 0 : i32
      %dma_wait3A_64 = tpu.memref_slice %arg8[%mul3A_2, %dma_wait3A_63] : memref<10112x64xf32, #tpu.memory_space<vmem_shared>> -> memref<632x64xf32, #tpu.memory_space<vmem_shared>>
      %dma_wait3A_65 = arith.constant 0 : i32
      %dma_wait3A_66 = tpu.memref_slice %arg3[%mul3A_2, %dma_wait3A_65] : memref<10112x64xf32, #tpu.memory_space<hbm>> -> memref<632x64xf32, #tpu.memory_space<hbm>>
      tpu.wait_dma2 semaphore(%run_scoped3A_58 : memref<!tpu.dma_semaphore, #tpu.memory_space<semaphore_mem>>) src(%dma_wait3A_66 : memref<632x64xf32, #tpu.memory_space<hbm>>) dst(%dma_wait3A_64 : memref<632x64xf32, #tpu.memory_space<vmem_shared>>)
      tpu.yield
    }) : () -> ()
    %barrier3A_31 = arith.constant 0 : index
    tpu.barrier barrier_id(%barrier3A_31)
    %dma_start3A_32 = arith.constant 0 : i32
    %dma_start3A_33 = arith.constant 0 : i32
    %dma_start3A_34 = tpu.memref_slice %arg9[%dma_start3A_32, %dma_start3A_33] : memref<80x128xi32, #tpu.memory_space<vmem>> -> memref<1x128xi32, #tpu.memory_space<vmem>>
    %dma_start3A_35 = tpu.memref_squeeze %dma_start3A_34 : memref<1x128xi32, #tpu.memory_space<vmem>> -> memref<128xi32, #tpu.memory_space<vmem>>
    %dma_start3A_36 = arith.constant 0 : i32
    %dma_start3A_37 = arith.constant 0 : i32
    %dma_start3A_38 = tpu.memref_slice %arg7[%dma_start3A_36, %dma_start3A_37] : memref<10112x64xf32, #tpu.memory_space<vmem_shared>> -> memref<10112x64xf32, #tpu.memory_space<vmem_shared>>
    tpu.enqueue_indirect_dma source(%dma_start3A_38 : memref<10112x64xf32, #tpu.memory_space<vmem_shared>>) target(%arg11 : memref<128x64xf32, #tpu.memory_space<vmem>>) offsets(%dma_start3A_35 : memref<128xi32, #tpu.memory_space<vmem>>) semaphore(%arg13 : memref<!tpu.dma_semaphore, #tpu.memory_space<semaphore_mem>>)
    %scan3A_39 = arith.constant 0 : i32
    %scan3A_40 = arith.constant 0 : i32
    %scan3A_41 = arith.constant 40 : i32
    %scan3A_42 = arith.addi %scan3A_40, %scan3A_41 : i32
    %scan3A_43 = arith.constant 1 : i32
    scf.for %scan3A_58 = %scan3A_40 to %scan3A_42 step %scan3A_43  : i32 {
      %mul3A_59 = arith.constant 2 : i32
      %mul3A_60 = arith.muli %mul3A_59, %scan3A_58 : i32
      %dma_wait3A_61 = arith.constant 0 : i32
      %dma_wait3A_62 = tpu.memref_slice %arg9[%mul3A_60, %dma_wait3A_61] : memref<80x128xi32, #tpu.memory_space<vmem>> -> memref<1x128xi32, #tpu.memory_space<vmem>>
      %dma_wait3A_63 = tpu.memref_squeeze %dma_wait3A_62 : memref<1x128xi32, #tpu.memory_space<vmem>> -> memref<128xi32, #tpu.memory_space<vmem>>
      %dma_wait3A_64 = arith.constant 0 : i32
      %dma_wait3A_65 = arith.constant 0 : i32
      %dma_wait3A_66 = tpu.memref_slice %arg7[%dma_wait3A_64, %dma_wait3A_65] : memref<10112x64xf32, #tpu.memory_space<vmem_shared>> -> memref<10112x64xf32, #tpu.memory_space<vmem_shared>>
      tpu.wait_indirect_dma semaphore(%arg13 : memref<!tpu.dma_semaphore, #tpu.memory_space<semaphore_mem>>) src(%dma_wait3A_66 : memref<10112x64xf32, #tpu.memory_space<vmem_shared>>) dst(%arg11 : memref<128x64xf32, #tpu.memory_space<vmem>>)
      %add3A_67 = arith.constant 1 : i32
      %add3A_68 = arith.addi %mul3A_60, %add3A_67 : i32
      %dma_start3A_69 = arith.constant 0 : i32
      %dma_start3A_70 = tpu.memref_slice %arg9[%add3A_68, %dma_start3A_69] : memref<80x128xi32, #tpu.memory_space<vmem>> -> memref<1x128xi32, #tpu.memory_space<vmem>>
      %dma_start3A_71 = tpu.memref_squeeze %dma_start3A_70 : memref<1x128xi32, #tpu.memory_space<vmem>> -> memref<128xi32, #tpu.memory_space<vmem>>
      %dma_start3A_72 = arith.constant 0 : i32
      %dma_start3A_73 = arith.constant 0 : i32
      %dma_start3A_74 = tpu.memref_slice %arg7[%dma_start3A_72, %dma_start3A_73] : memref<10112x64xf32, #tpu.memory_space<vmem_shared>> -> memref<10112x64xf32, #tpu.memory_space<vmem_shared>>
      tpu.enqueue_indirect_dma source(%dma_start3A_74 : memref<10112x64xf32, #tpu.memory_space<vmem_shared>>) target(%arg12 : memref<128x64xf32, #tpu.memory_space<vmem>>) offsets(%dma_start3A_71 : memref<128xi32, #tpu.memory_space<vmem>>) semaphore(%arg14 : memref<!tpu.dma_semaphore, #tpu.memory_space<semaphore_mem>>)
      "tpu.region"() ({
        %run_scoped3A_94 = tpu.sem_alloc : memref<!tpu.dma_semaphore, #tpu.memory_space<semaphore_mem>>
        %dma_start3A_95 = arith.constant 0 : i32
        %dma_start3A_96 = tpu.memref_slice %arg10[%mul3A_60, %dma_start3A_95] : memref<80x128xi32, #tpu.memory_space<vmem>> -> memref<1x128xi32, #tpu.memory_space<vmem>>
        %dma_start3A_97 = tpu.memref_squeeze %dma_start3A_96 : memref<1x128xi32, #tpu.memory_space<vmem>> -> memref<128xi32, #tpu.memory_space<vmem>>
        %dma_start3A_98 = arith.constant 0 : i32
        %dma_start3A_99 = arith.constant 0 : i32
        %dma_start3A_100 = tpu.memref_slice %arg8[%dma_start3A_98, %dma_start3A_99] : memref<10112x64xf32, #tpu.memory_space<vmem_shared>> -> memref<10112x64xf32, #tpu.memory_space<vmem_shared>>
        tpu.enqueue_indirect_dma source(%arg11 : memref<128x64xf32, #tpu.memory_space<vmem>>) target(%dma_start3A_100 : memref<10112x64xf32, #tpu.memory_space<vmem_shared>>) offsets(%dma_start3A_97 : memref<128xi32, #tpu.memory_space<vmem>>) semaphore(%run_scoped3A_94 : memref<!tpu.dma_semaphore, #tpu.memory_space<semaphore_mem>>) {add = true}
        %dma_wait3A_101 = arith.constant 0 : i32
        %dma_wait3A_102 = tpu.memref_slice %arg10[%mul3A_60, %dma_wait3A_101] : memref<80x128xi32, #tpu.memory_space<vmem>> -> memref<1x128xi32, #tpu.memory_space<vmem>>
        %dma_wait3A_103 = tpu.memref_squeeze %dma_wait3A_102 : memref<1x128xi32, #tpu.memory_space<vmem>> -> memref<128xi32, #tpu.memory_space<vmem>>
        %dma_wait3A_104 = arith.constant 0 : i32
        %dma_wait3A_105 = arith.constant 0 : i32
        %dma_wait3A_106 = tpu.memref_slice %arg8[%dma_wait3A_104, %dma_wait3A_105] : memref<10112x64xf32, #tpu.memory_space<vmem_shared>> -> memref<10112x64xf32, #tpu.memory_space<vmem_shared>>
        tpu.wait_indirect_dma semaphore(%run_scoped3A_94 : memref<!tpu.dma_semaphore, #tpu.memory_space<semaphore_mem>>) src(%arg11 : memref<128x64xf32, #tpu.memory_space<vmem>>) dst(%dma_wait3A_106 : memref<10112x64xf32, #tpu.memory_space<vmem_shared>>)
        tpu.yield
      }) : () -> ()
      %add3A_75 = arith.constant 1 : i32
      %add3A_76 = arith.addi %mul3A_60, %add3A_75 : i32
      %dma_wait3A_77 = arith.constant 0 : i32
      %dma_wait3A_78 = tpu.memref_slice %arg9[%add3A_76, %dma_wait3A_77] : memref<80x128xi32, #tpu.memory_space<vmem>> -> memref<1x128xi32, #tpu.memory_space<vmem>>
      %dma_wait3A_79 = tpu.memref_squeeze %dma_wait3A_78 : memref<1x128xi32, #tpu.memory_space<vmem>> -> memref<128xi32, #tpu.memory_space<vmem>>
      %dma_wait3A_80 = arith.constant 0 : i32
      %dma_wait3A_81 = arith.constant 0 : i32
      %dma_wait3A_82 = tpu.memref_slice %arg7[%dma_wait3A_80, %dma_wait3A_81] : memref<10112x64xf32, #tpu.memory_space<vmem_shared>> -> memref<10112x64xf32, #tpu.memory_space<vmem_shared>>
      tpu.wait_indirect_dma semaphore(%arg14 : memref<!tpu.dma_semaphore, #tpu.memory_space<semaphore_mem>>) src(%dma_wait3A_82 : memref<10112x64xf32, #tpu.memory_space<vmem_shared>>) dst(%arg12 : memref<128x64xf32, #tpu.memory_space<vmem>>)
      %add3A_83 = arith.constant 2 : i32
      %add3A_84 = arith.addi %mul3A_60, %add3A_83 : i32
      %min3A = arith.constant 79 : i32
      %min3A_85 = arith.minsi %add3A_84, %min3A : i32
      %dma_start3A_86 = arith.constant 0 : i32
      %dma_start3A_87 = tpu.memref_slice %arg9[%min3A_85, %dma_start3A_86] : memref<80x128xi32, #tpu.memory_space<vmem>> -> memref<1x128xi32, #tpu.memory_space<vmem>>
      %dma_start3A_88 = tpu.memref_squeeze %dma_start3A_87 : memref<1x128xi32, #tpu.memory_space<vmem>> -> memref<128xi32, #tpu.memory_space<vmem>>
      %dma_start3A_89 = arith.constant 0 : i32
      %dma_start3A_90 = arith.constant 0 : i32
      %dma_start3A_91 = tpu.memref_slice %arg7[%dma_start3A_89, %dma_start3A_90] : memref<10112x64xf32, #tpu.memory_space<vmem_shared>> -> memref<10112x64xf32, #tpu.memory_space<vmem_shared>>
      tpu.enqueue_indirect_dma source(%dma_start3A_91 : memref<10112x64xf32, #tpu.memory_space<vmem_shared>>) target(%arg11 : memref<128x64xf32, #tpu.memory_space<vmem>>) offsets(%dma_start3A_88 : memref<128xi32, #tpu.memory_space<vmem>>) semaphore(%arg13 : memref<!tpu.dma_semaphore, #tpu.memory_space<semaphore_mem>>)
      %add3A_92 = arith.constant 1 : i32
      %add3A_93 = arith.addi %mul3A_60, %add3A_92 : i32
      "tpu.region"() ({
        %run_scoped3A_94 = tpu.sem_alloc : memref<!tpu.dma_semaphore, #tpu.memory_space<semaphore_mem>>
        %dma_start3A_95 = arith.constant 0 : i32
        %dma_start3A_96 = tpu.memref_slice %arg10[%add3A_93, %dma_start3A_95] : memref<80x128xi32, #tpu.memory_space<vmem>> -> memref<1x128xi32, #tpu.memory_space<vmem>>
        %dma_start3A_97 = tpu.memref_squeeze %dma_start3A_96 : memref<1x128xi32, #tpu.memory_space<vmem>> -> memref<128xi32, #tpu.memory_space<vmem>>
        %dma_start3A_98 = arith.constant 0 : i32
        %dma_start3A_99 = arith.constant 0 : i32
        %dma_start3A_100 = tpu.memref_slice %arg8[%dma_start3A_98, %dma_start3A_99] : memref<10112x64xf32, #tpu.memory_space<vmem_shared>> -> memref<10112x64xf32, #tpu.memory_space<vmem_shared>>
        tpu.enqueue_indirect_dma source(%arg12 : memref<128x64xf32, #tpu.memory_space<vmem>>) target(%dma_start3A_100 : memref<10112x64xf32, #tpu.memory_space<vmem_shared>>) offsets(%dma_start3A_97 : memref<128xi32, #tpu.memory_space<vmem>>) semaphore(%run_scoped3A_94 : memref<!tpu.dma_semaphore, #tpu.memory_space<semaphore_mem>>) {add = true}
        %dma_wait3A_101 = arith.constant 0 : i32
        %dma_wait3A_102 = tpu.memref_slice %arg10[%add3A_93, %dma_wait3A_101] : memref<80x128xi32, #tpu.memory_space<vmem>> -> memref<1x128xi32, #tpu.memory_space<vmem>>
        %dma_wait3A_103 = tpu.memref_squeeze %dma_wait3A_102 : memref<1x128xi32, #tpu.memory_space<vmem>> -> memref<128xi32, #tpu.memory_space<vmem>>
        %dma_wait3A_104 = arith.constant 0 : i32
        %dma_wait3A_105 = arith.constant 0 : i32
        %dma_wait3A_106 = tpu.memref_slice %arg8[%dma_wait3A_104, %dma_wait3A_105] : memref<10112x64xf32, #tpu.memory_space<vmem_shared>> -> memref<10112x64xf32, #tpu.memory_space<vmem_shared>>
        tpu.wait_indirect_dma semaphore(%run_scoped3A_94 : memref<!tpu.dma_semaphore, #tpu.memory_space<semaphore_mem>>) src(%arg12 : memref<128x64xf32, #tpu.memory_space<vmem>>) dst(%dma_wait3A_106 : memref<10112x64xf32, #tpu.memory_space<vmem_shared>>)
        tpu.yield
      }) : () -> ()
    }
    %scan3A_44 = arith.constant 40 : i32
    %dma_wait3A_45 = arith.constant 0 : i32
    %dma_wait3A_46 = arith.constant 0 : i32
    %dma_wait3A_47 = tpu.memref_slice %arg9[%dma_wait3A_45, %dma_wait3A_46] : memref<80x128xi32, #tpu.memory_space<vmem>> -> memref<1x128xi32, #tpu.memory_space<vmem>>
    %dma_wait3A_48 = tpu.memref_squeeze %dma_wait3A_47 : memref<1x128xi32, #tpu.memory_space<vmem>> -> memref<128xi32, #tpu.memory_space<vmem>>
    %dma_wait3A_49 = arith.constant 0 : i32
    %dma_wait3A_50 = arith.constant 0 : i32
    %dma_wait3A_51 = tpu.memref_slice %arg7[%dma_wait3A_49, %dma_wait3A_50] : memref<10112x64xf32, #tpu.memory_space<vmem_shared>> -> memref<10112x64xf32, #tpu.memory_space<vmem_shared>>
    tpu.wait_indirect_dma semaphore(%arg13 : memref<!tpu.dma_semaphore, #tpu.memory_space<semaphore_mem>>) src(%dma_wait3A_51 : memref<10112x64xf32, #tpu.memory_space<vmem_shared>>) dst(%arg11 : memref<128x64xf32, #tpu.memory_space<vmem>>)
    %barrier3A_52 = arith.constant 0 : index
    tpu.barrier barrier_id(%barrier3A_52)
    %mul3A_53 = arith.constant 632 : i32
    %mul3A_54 = arith.muli %arg1, %mul3A_53 : i32
    %mul3A_55 = arith.constant 632 : i32
    %mul3A_56 = arith.muli %arg1, %mul3A_55 : i32
    %run_scoped3A_57 = arith.constant 1 : i32
    "tpu.region"() ({
      %run_scoped3A_58 = tpu.sem_alloc : memref<!tpu.dma_semaphore, #tpu.memory_space<semaphore_mem>>
      %dma_start3A_59 = arith.constant 0 : i32
      %dma_start3A_60 = arith.constant 0 : i32
      %dma_start3A_61 = arith.constant 0 : i32
      %dma_start3A_62 = tpu.memref_slice %arg6[%run_scoped3A_57, %dma_start3A_59, %dma_start3A_60, %dma_start3A_61] : memref<2x2x10112x64xf32, #tpu.memory_space<hbm>> -> memref<1x2x10112x64xf32, #tpu.memory_space<hbm>>
      %dma_start3A_63 = tpu.memref_squeeze %dma_start3A_62 : memref<1x2x10112x64xf32, #tpu.memory_space<hbm>> -> memref<2x10112x64xf32, #tpu.memory_space<hbm>>
      %dma_start3A_64 = arith.constant 0 : i32
      %dma_start3A_65 = arith.constant 0 : i32
      %dma_start3A_66 = tpu.memref_slice %dma_start3A_63[%arg0, %dma_start3A_64, %dma_start3A_65] : memref<2x10112x64xf32, #tpu.memory_space<hbm>> -> memref<1x10112x64xf32, #tpu.memory_space<hbm>>
      %dma_start3A_67 = tpu.memref_squeeze %dma_start3A_66 : memref<1x10112x64xf32, #tpu.memory_space<hbm>> -> memref<10112x64xf32, #tpu.memory_space<hbm>>
      %dma_start3A_68 = arith.constant 0 : i32
      %dma_start3A_69 = tpu.memref_slice %dma_start3A_67[%mul3A_56, %dma_start3A_68] : memref<10112x64xf32, #tpu.memory_space<hbm>> -> memref<632x64xf32, #tpu.memory_space<hbm>>
      %dma_start3A_70 = arith.constant 0 : i32
      %dma_start3A_71 = tpu.memref_slice %arg8[%mul3A_54, %dma_start3A_70] : memref<10112x64xf32, #tpu.memory_space<vmem_shared>> -> memref<632x64xf32, #tpu.memory_space<vmem_shared>>
      tpu.enqueue_dma source(%dma_start3A_71 : memref<632x64xf32, #tpu.memory_space<vmem_shared>>) target(%dma_start3A_69 : memref<632x64xf32, #tpu.memory_space<hbm>>) target_semaphore(%run_scoped3A_58 : memref<!tpu.dma_semaphore, #tpu.memory_space<semaphore_mem>>)
      %dma_wait3A_72 = arith.constant 0 : i32
      %dma_wait3A_73 = arith.constant 0 : i32
      %dma_wait3A_74 = arith.constant 0 : i32
      %dma_wait3A_75 = tpu.memref_slice %arg6[%run_scoped3A_57, %dma_wait3A_72, %dma_wait3A_73, %dma_wait3A_74] : memref<2x2x10112x64xf32, #tpu.memory_space<hbm>> -> memref<1x2x10112x64xf32, #tpu.memory_space<hbm>>
      %dma_wait3A_76 = tpu.memref_squeeze %dma_wait3A_75 : memref<1x2x10112x64xf32, #tpu.memory_space<hbm>> -> memref<2x10112x64xf32, #tpu.memory_space<hbm>>
      %dma_wait3A_77 = arith.constant 0 : i32
      %dma_wait3A_78 = arith.constant 0 : i32
      %dma_wait3A_79 = tpu.memref_slice %dma_wait3A_76[%arg0, %dma_wait3A_77, %dma_wait3A_78] : memref<2x10112x64xf32, #tpu.memory_space<hbm>> -> memref<1x10112x64xf32, #tpu.memory_space<hbm>>
      %dma_wait3A_80 = tpu.memref_squeeze %dma_wait3A_79 : memref<1x10112x64xf32, #tpu.memory_space<hbm>> -> memref<10112x64xf32, #tpu.memory_space<hbm>>
      %dma_wait3A_81 = arith.constant 0 : i32
      %dma_wait3A_82 = tpu.memref_slice %dma_wait3A_80[%mul3A_56, %dma_wait3A_81] : memref<10112x64xf32, #tpu.memory_space<hbm>> -> memref<632x64xf32, #tpu.memory_space<hbm>>
      %dma_wait3A_83 = arith.constant 0 : i32
      %dma_wait3A_84 = tpu.memref_slice %arg8[%mul3A_54, %dma_wait3A_83] : memref<10112x64xf32, #tpu.memory_space<vmem_shared>> -> memref<632x64xf32, #tpu.memory_space<vmem_shared>>
      tpu.wait_dma2 semaphore(%run_scoped3A_58 : memref<!tpu.dma_semaphore, #tpu.memory_space<semaphore_mem>>) src(%dma_wait3A_84 : memref<632x64xf32, #tpu.memory_space<vmem_shared>>) dst(%dma_wait3A_82 : memref<632x64xf32, #tpu.memory_space<hbm>>)
      tpu.yield
    }) : () -> ()
    return
  }
}

#map = affine_map<(d0, d1) -> (0, 0, 0)>
#map1 = affine_map<(d0, d1) -> (0, 0)>
#map2 = affine_map<(d0, d1) -> (0, 0, 0, 0)>
module attributes {stable_mosaic.version = 14 : i64} {
  func.func @body(%arg0: i32, %arg1: i32, %arg2: memref<1x10112x64xf32, #tpu.memory_space<hbm>>, %arg3: memref<10112x64xf32, #tpu.memory_space<hbm>>, %arg4: memref<2560x128xi32, #tpu.memory_space<hbm>>, %arg5: memref<2560x128xi32, #tpu.memory_space<hbm>>, %arg6: memref<1x2x10112x64xf32, #tpu.memory_space<hbm>>, %arg7: memref<10112x64xf32, #tpu.memory_space<vmem_shared>>, %arg8: memref<10112x64xf32, #tpu.memory_space<vmem_shared>>, %arg9: memref<80x128xi32, #tpu.memory_space<vmem>>, %arg10: memref<80x128xi32, #tpu.memory_space<vmem>>, %arg11: memref<128x64xf32, #tpu.memory_space<vmem>>, %arg12: memref<128x64xf32, #tpu.memory_space<vmem>>, %arg13: memref<!tpu.dma_semaphore, #tpu.memory_space<semaphore_mem>>, %arg14: memref<!tpu.dma_semaphore, #tpu.memory_space<semaphore_mem>>) attributes {dimension_semantics = [#tpu.dimension_semantics<core_parallel>, #tpu.dimension_semantics<subcore_parallel>], iteration_bounds = array<i64: 2, 16>, scalar_prefetch = 0 : i64, scratch_operands = 8 : i64, tpu.core_type = #tpu.core_type<sc_vector_subcore>, window_params = [{transform_indices = #map}, {transform_indices = #map1}, {transform_indices = #map1}, {transform_indices = #map1}, {transform_indices = #map2}]} {
    %mul3A = arith.constant 16 : i32
    %mul3A_0 = arith.muli %arg0, %mul3A : i32
    %add3A = arith.addi %mul3A_0, %arg1 : i32
    %mul3A_1 = arith.constant 632 : i32
    %mul3A_2 = arith.muli %arg1, %mul3A_1 : i32
    %mul3A_3 = arith.constant 80 : i32
    %mul3A_4 = arith.muli %add3A, %mul3A_3 : i32
    "tpu.region"() ({
      %run_scoped3A_30 = tpu.sem_alloc : memref<!tpu.dma_semaphore, #tpu.memory_space<semaphore_mem>>
      %dma_start3A_31 = arith.constant 0 : i32
      %dma_start3A_32 = tpu.memref_slice %arg4[%mul3A_4, %dma_start3A_31] : memref<2560x128xi32, #tpu.memory_space<hbm>> -> memref<80x128xi32, #tpu.memory_space<hbm>>
      %dma_start3A_33 = arith.constant 0 : i32
      %dma_start3A_34 = tpu.memref_slice %arg4[%mul3A_4, %dma_start3A_33] : memref<2560x128xi32, #tpu.memory_space<hbm>> -> memref<80x128xi32, #tpu.memory_space<hbm>>
      tpu.enqueue_dma source(%dma_start3A_34 : memref<80x128xi32, #tpu.memory_space<hbm>>) target(%arg9 : memref<80x128xi32, #tpu.memory_space<vmem>>) target_semaphore(%run_scoped3A_30 : memref<!tpu.dma_semaphore, #tpu.memory_space<semaphore_mem>>)
      %dma_wait3A_35 = arith.constant 0 : i32
      %dma_wait3A_36 = tpu.memref_slice %arg4[%mul3A_4, %dma_wait3A_35] : memref<2560x128xi32, #tpu.memory_space<hbm>> -> memref<80x128xi32, #tpu.memory_space<hbm>>
      %dma_wait3A_37 = arith.constant 0 : i32
      %dma_wait3A_38 = tpu.memref_slice %arg4[%mul3A_4, %dma_wait3A_37] : memref<2560x128xi32, #tpu.memory_space<hbm>> -> memref<80x128xi32, #tpu.memory_space<hbm>>
      tpu.wait_dma2 semaphore(%run_scoped3A_30 : memref<!tpu.dma_semaphore, #tpu.memory_space<semaphore_mem>>) src(%dma_wait3A_38 : memref<80x128xi32, #tpu.memory_space<hbm>>) dst(%arg9 : memref<80x128xi32, #tpu.memory_space<vmem>>)
      tpu.yield
    }) : () -> ()
    %mul3A_5 = arith.constant 80 : i32
    %mul3A_6 = arith.muli %add3A, %mul3A_5 : i32
    "tpu.region"() ({
      %run_scoped3A_30 = tpu.sem_alloc : memref<!tpu.dma_semaphore, #tpu.memory_space<semaphore_mem>>
      %dma_start3A_31 = arith.constant 0 : i32
      %dma_start3A_32 = tpu.memref_slice %arg5[%mul3A_6, %dma_start3A_31] : memref<2560x128xi32, #tpu.memory_space<hbm>> -> memref<80x128xi32, #tpu.memory_space<hbm>>
      %dma_start3A_33 = arith.constant 0 : i32
      %dma_start3A_34 = tpu.memref_slice %arg5[%mul3A_6, %dma_start3A_33] : memref<2560x128xi32, #tpu.memory_space<hbm>> -> memref<80x128xi32, #tpu.memory_space<hbm>>
      tpu.enqueue_dma source(%dma_start3A_34 : memref<80x128xi32, #tpu.memory_space<hbm>>) target(%arg10 : memref<80x128xi32, #tpu.memory_space<vmem>>) target_semaphore(%run_scoped3A_30 : memref<!tpu.dma_semaphore, #tpu.memory_space<semaphore_mem>>)
      %dma_wait3A_35 = arith.constant 0 : i32
      %dma_wait3A_36 = tpu.memref_slice %arg5[%mul3A_6, %dma_wait3A_35] : memref<2560x128xi32, #tpu.memory_space<hbm>> -> memref<80x128xi32, #tpu.memory_space<hbm>>
      %dma_wait3A_37 = arith.constant 0 : i32
      %dma_wait3A_38 = tpu.memref_slice %arg5[%mul3A_6, %dma_wait3A_37] : memref<2560x128xi32, #tpu.memory_space<hbm>> -> memref<80x128xi32, #tpu.memory_space<hbm>>
      tpu.wait_dma2 semaphore(%run_scoped3A_30 : memref<!tpu.dma_semaphore, #tpu.memory_space<semaphore_mem>>) src(%dma_wait3A_38 : memref<80x128xi32, #tpu.memory_space<hbm>>) dst(%arg10 : memref<80x128xi32, #tpu.memory_space<vmem>>)
      tpu.yield
    }) : () -> ()
    %run_scoped3A = arith.constant 0 : i32
    "tpu.region"() ({
      %run_scoped3A_30 = tpu.sem_alloc : memref<!tpu.dma_semaphore, #tpu.memory_space<semaphore_mem>>
      %dma_start3A_31 = arith.constant 0 : i32
      %dma_start3A_32 = tpu.memref_slice %arg7[%mul3A_2, %dma_start3A_31] : memref<10112x64xf32, #tpu.memory_space<vmem_shared>> -> memref<632x64xf32, #tpu.memory_space<vmem_shared>>
      %dma_start3A_33 = arith.constant 0 : i32
      %dma_start3A_34 = arith.constant 0 : i32
      %dma_start3A_35 = tpu.memref_slice %arg2[%run_scoped3A, %dma_start3A_33, %dma_start3A_34] : memref<1x10112x64xf32, #tpu.memory_space<hbm>> -> memref<1x10112x64xf32, #tpu.memory_space<hbm>>
      %dma_start3A_36 = tpu.memref_squeeze %dma_start3A_35 : memref<1x10112x64xf32, #tpu.memory_space<hbm>> -> memref<10112x64xf32, #tpu.memory_space<hbm>>
      %dma_start3A_37 = arith.constant 0 : i32
      %dma_start3A_38 = tpu.memref_slice %dma_start3A_36[%mul3A_2, %dma_start3A_37] : memref<10112x64xf32, #tpu.memory_space<hbm>> -> memref<632x64xf32, #tpu.memory_space<hbm>>
      tpu.enqueue_dma source(%dma_start3A_38 : memref<632x64xf32, #tpu.memory_space<hbm>>) target(%dma_start3A_32 : memref<632x64xf32, #tpu.memory_space<vmem_shared>>) target_semaphore(%run_scoped3A_30 : memref<!tpu.dma_semaphore, #tpu.memory_space<semaphore_mem>>)
      %dma_wait3A_39 = arith.constant 0 : i32
      %dma_wait3A_40 = tpu.memref_slice %arg7[%mul3A_2, %dma_wait3A_39] : memref<10112x64xf32, #tpu.memory_space<vmem_shared>> -> memref<632x64xf32, #tpu.memory_space<vmem_shared>>
      %dma_wait3A_41 = arith.constant 0 : i32
      %dma_wait3A_42 = arith.constant 0 : i32
      %dma_wait3A_43 = tpu.memref_slice %arg2[%run_scoped3A, %dma_wait3A_41, %dma_wait3A_42] : memref<1x10112x64xf32, #tpu.memory_space<hbm>> -> memref<1x10112x64xf32, #tpu.memory_space<hbm>>
      %dma_wait3A_44 = tpu.memref_squeeze %dma_wait3A_43 : memref<1x10112x64xf32, #tpu.memory_space<hbm>> -> memref<10112x64xf32, #tpu.memory_space<hbm>>
      %dma_wait3A_45 = arith.constant 0 : i32
      %dma_wait3A_46 = tpu.memref_slice %dma_wait3A_44[%mul3A_2, %dma_wait3A_45] : memref<10112x64xf32, #tpu.memory_space<hbm>> -> memref<632x64xf32, #tpu.memory_space<hbm>>
      tpu.wait_dma2 semaphore(%run_scoped3A_30 : memref<!tpu.dma_semaphore, #tpu.memory_space<semaphore_mem>>) src(%dma_wait3A_46 : memref<632x64xf32, #tpu.memory_space<hbm>>) dst(%dma_wait3A_40 : memref<632x64xf32, #tpu.memory_space<vmem_shared>>)
      tpu.yield
    }) : () -> ()
    "tpu.region"() ({
      %run_scoped3A_30 = tpu.sem_alloc : memref<!tpu.dma_semaphore, #tpu.memory_space<semaphore_mem>>
      %dma_start3A_31 = arith.constant 0 : i32
      %dma_start3A_32 = tpu.memref_slice %arg8[%mul3A_2, %dma_start3A_31] : memref<10112x64xf32, #tpu.memory_space<vmem_shared>> -> memref<632x64xf32, #tpu.memory_space<vmem_shared>>
      %dma_start3A_33 = arith.constant 0 : i32
      %dma_start3A_34 = tpu.memref_slice %arg3[%mul3A_2, %dma_start3A_33] : memref<10112x64xf32, #tpu.memory_space<hbm>> -> memref<632x64xf32, #tpu.memory_space<hbm>>
      tpu.enqueue_dma source(%dma_start3A_34 : memref<632x64xf32, #tpu.memory_space<hbm>>) target(%dma_start3A_32 : memref<632x64xf32, #tpu.memory_space<vmem_shared>>) target_semaphore(%run_scoped3A_30 : memref<!tpu.dma_semaphore, #tpu.memory_space<semaphore_mem>>)
      %dma_wait3A_35 = arith.constant 0 : i32
      %dma_wait3A_36 = tpu.memref_slice %arg8[%mul3A_2, %dma_wait3A_35] : memref<10112x64xf32, #tpu.memory_space<vmem_shared>> -> memref<632x64xf32, #tpu.memory_space<vmem_shared>>
      %dma_wait3A_37 = arith.constant 0 : i32
      %dma_wait3A_38 = tpu.memref_slice %arg3[%mul3A_2, %dma_wait3A_37] : memref<10112x64xf32, #tpu.memory_space<hbm>> -> memref<632x64xf32, #tpu.memory_space<hbm>>
      tpu.wait_dma2 semaphore(%run_scoped3A_30 : memref<!tpu.dma_semaphore, #tpu.memory_space<semaphore_mem>>) src(%dma_wait3A_38 : memref<632x64xf32, #tpu.memory_space<hbm>>) dst(%dma_wait3A_36 : memref<632x64xf32, #tpu.memory_space<vmem_shared>>)
      tpu.yield
    }) : () -> ()
    %barrier3A = arith.constant 0 : index
    tpu.barrier barrier_id(%barrier3A)
    %dma_start3A = arith.constant 0 : i32
    %dma_start3A_7 = arith.constant 0 : i32
    %dma_start3A_8 = tpu.memref_slice %arg9[%dma_start3A, %dma_start3A_7] : memref<80x128xi32, #tpu.memory_space<vmem>> -> memref<1x128xi32, #tpu.memory_space<vmem>>
    %dma_start3A_9 = tpu.memref_squeeze %dma_start3A_8 : memref<1x128xi32, #tpu.memory_space<vmem>> -> memref<128xi32, #tpu.memory_space<vmem>>
    %dma_start3A_10 = arith.constant 0 : i32
    %dma_start3A_11 = arith.constant 0 : i32
    %dma_start3A_12 = tpu.memref_slice %arg7[%dma_start3A_10, %dma_start3A_11] : memref<10112x64xf32, #tpu.memory_space<vmem_shared>> -> memref<10112x64xf32, #tpu.memory_space<vmem_shared>>
    tpu.enqueue_indirect_dma source(%dma_start3A_12 : memref<10112x64xf32, #tpu.memory_space<vmem_shared>>) target(%arg11 : memref<128x64xf32, #tpu.memory_space<vmem>>) offsets(%dma_start3A_9 : memref<128xi32, #tpu.memory_space<vmem>>) semaphore(%arg13 : memref<!tpu.dma_semaphore, #tpu.memory_space<semaphore_mem>>)
    %scan3A = arith.constant 0 : i32
    %scan3A_13 = arith.constant 0 : i32
    %scan3A_14 = arith.constant 40 : i32
    %scan3A_15 = arith.addi %scan3A_13, %scan3A_14 : i32
    %scan3A_16 = arith.constant 1 : i32
    scf.for %scan3A_30 = %scan3A_13 to %scan3A_15 step %scan3A_16  : i32 {
      %mul3A_31 = arith.constant 2 : i32
      %mul3A_32 = arith.muli %mul3A_31, %scan3A_30 : i32
      %dma_wait3A_33 = arith.constant 0 : i32
      %dma_wait3A_34 = tpu.memref_slice %arg9[%mul3A_32, %dma_wait3A_33] : memref<80x128xi32, #tpu.memory_space<vmem>> -> memref<1x128xi32, #tpu.memory_space<vmem>>
      %dma_wait3A_35 = tpu.memref_squeeze %dma_wait3A_34 : memref<1x128xi32, #tpu.memory_space<vmem>> -> memref<128xi32, #tpu.memory_space<vmem>>
      %dma_wait3A_36 = arith.constant 0 : i32
      %dma_wait3A_37 = arith.constant 0 : i32
      %dma_wait3A_38 = tpu.memref_slice %arg7[%dma_wait3A_36, %dma_wait3A_37] : memref<10112x64xf32, #tpu.memory_space<vmem_shared>> -> memref<10112x64xf32, #tpu.memory_space<vmem_shared>>
      tpu.wait_indirect_dma semaphore(%arg13 : memref<!tpu.dma_semaphore, #tpu.memory_space<semaphore_mem>>) src(%dma_wait3A_38 : memref<10112x64xf32, #tpu.memory_space<vmem_shared>>) dst(%arg11 : memref<128x64xf32, #tpu.memory_space<vmem>>)
      %add3A_39 = arith.constant 1 : i32
      %add3A_40 = arith.addi %mul3A_32, %add3A_39 : i32
      %dma_start3A_41 = arith.constant 0 : i32
      %dma_start3A_42 = tpu.memref_slice %arg9[%add3A_40, %dma_start3A_41] : memref<80x128xi32, #tpu.memory_space<vmem>> -> memref<1x128xi32, #tpu.memory_space<vmem>>
      %dma_start3A_43 = tpu.memref_squeeze %dma_start3A_42 : memref<1x128xi32, #tpu.memory_space<vmem>> -> memref<128xi32, #tpu.memory_space<vmem>>
      %dma_start3A_44 = arith.constant 0 : i32
      %dma_start3A_45 = arith.constant 0 : i32
      %dma_start3A_46 = tpu.memref_slice %arg7[%dma_start3A_44, %dma_start3A_45] : memref<10112x64xf32, #tpu.memory_space<vmem_shared>> -> memref<10112x64xf32, #tpu.memory_space<vmem_shared>>
      tpu.enqueue_indirect_dma source(%dma_start3A_46 : memref<10112x64xf32, #tpu.memory_space<vmem_shared>>) target(%arg12 : memref<128x64xf32, #tpu.memory_space<vmem>>) offsets(%dma_start3A_43 : memref<128xi32, #tpu.memory_space<vmem>>) semaphore(%arg14 : memref<!tpu.dma_semaphore, #tpu.memory_space<semaphore_mem>>)
      "tpu.region"() ({
        %run_scoped3A_66 = tpu.sem_alloc : memref<!tpu.dma_semaphore, #tpu.memory_space<semaphore_mem>>
        %dma_start3A_67 = arith.constant 0 : i32
        %dma_start3A_68 = tpu.memref_slice %arg10[%mul3A_32, %dma_start3A_67] : memref<80x128xi32, #tpu.memory_space<vmem>> -> memref<1x128xi32, #tpu.memory_space<vmem>>
        %dma_start3A_69 = tpu.memref_squeeze %dma_start3A_68 : memref<1x128xi32, #tpu.memory_space<vmem>> -> memref<128xi32, #tpu.memory_space<vmem>>
        %dma_start3A_70 = arith.constant 0 : i32
        %dma_start3A_71 = arith.constant 0 : i32
        %dma_start3A_72 = tpu.memref_slice %arg8[%dma_start3A_70, %dma_start3A_71] : memref<10112x64xf32, #tpu.memory_space<vmem_shared>> -> memref<10112x64xf32, #tpu.memory_space<vmem_shared>>
        tpu.enqueue_indirect_dma source(%arg11 : memref<128x64xf32, #tpu.memory_space<vmem>>) target(%dma_start3A_72 : memref<10112x64xf32, #tpu.memory_space<vmem_shared>>) offsets(%dma_start3A_69 : memref<128xi32, #tpu.memory_space<vmem>>) semaphore(%run_scoped3A_66 : memref<!tpu.dma_semaphore, #tpu.memory_space<semaphore_mem>>) {add = true}
        %dma_wait3A_73 = arith.constant 0 : i32
        %dma_wait3A_74 = tpu.memref_slice %arg10[%mul3A_32, %dma_wait3A_73] : memref<80x128xi32, #tpu.memory_space<vmem>> -> memref<1x128xi32, #tpu.memory_space<vmem>>
        %dma_wait3A_75 = tpu.memref_squeeze %dma_wait3A_74 : memref<1x128xi32, #tpu.memory_space<vmem>> -> memref<128xi32, #tpu.memory_space<vmem>>
        %dma_wait3A_76 = arith.constant 0 : i32
        %dma_wait3A_77 = arith.constant 0 : i32
        %dma_wait3A_78 = tpu.memref_slice %arg8[%dma_wait3A_76, %dma_wait3A_77] : memref<10112x64xf32, #tpu.memory_space<vmem_shared>> -> memref<10112x64xf32, #tpu.memory_space<vmem_shared>>
        tpu.wait_indirect_dma semaphore(%run_scoped3A_66 : memref<!tpu.dma_semaphore, #tpu.memory_space<semaphore_mem>>) src(%arg11 : memref<128x64xf32, #tpu.memory_space<vmem>>) dst(%dma_wait3A_78 : memref<10112x64xf32, #tpu.memory_space<vmem_shared>>)
        tpu.yield
      }) : () -> ()
      %add3A_47 = arith.constant 1 : i32
      %add3A_48 = arith.addi %mul3A_32, %add3A_47 : i32
      %dma_wait3A_49 = arith.constant 0 : i32
      %dma_wait3A_50 = tpu.memref_slice %arg9[%add3A_48, %dma_wait3A_49] : memref<80x128xi32, #tpu.memory_space<vmem>> -> memref<1x128xi32, #tpu.memory_space<vmem>>
      %dma_wait3A_51 = tpu.memref_squeeze %dma_wait3A_50 : memref<1x128xi32, #tpu.memory_space<vmem>> -> memref<128xi32, #tpu.memory_space<vmem>>
      %dma_wait3A_52 = arith.constant 0 : i32
      %dma_wait3A_53 = arith.constant 0 : i32
      %dma_wait3A_54 = tpu.memref_slice %arg7[%dma_wait3A_52, %dma_wait3A_53] : memref<10112x64xf32, #tpu.memory_space<vmem_shared>> -> memref<10112x64xf32, #tpu.memory_space<vmem_shared>>
      tpu.wait_indirect_dma semaphore(%arg14 : memref<!tpu.dma_semaphore, #tpu.memory_space<semaphore_mem>>) src(%dma_wait3A_54 : memref<10112x64xf32, #tpu.memory_space<vmem_shared>>) dst(%arg12 : memref<128x64xf32, #tpu.memory_space<vmem>>)
      %add3A_55 = arith.constant 2 : i32
      %add3A_56 = arith.addi %mul3A_32, %add3A_55 : i32
      %min3A = arith.constant 79 : i32
      %min3A_57 = arith.minsi %add3A_56, %min3A : i32
      %dma_start3A_58 = arith.constant 0 : i32
      %dma_start3A_59 = tpu.memref_slice %arg9[%min3A_57, %dma_start3A_58] : memref<80x128xi32, #tpu.memory_space<vmem>> -> memref<1x128xi32, #tpu.memory_space<vmem>>
      %dma_start3A_60 = tpu.memref_squeeze %dma_start3A_59 : memref<1x128xi32, #tpu.memory_space<vmem>> -> memref<128xi32, #tpu.memory_space<vmem>>
      %dma_start3A_61 = arith.constant 0 : i32
      %dma_start3A_62 = arith.constant 0 : i32
      %dma_start3A_63 = tpu.memref_slice %arg7[%dma_start3A_61, %dma_start3A_62] : memref<10112x64xf32, #tpu.memory_space<vmem_shared>> -> memref<10112x64xf32, #tpu.memory_space<vmem_shared>>
      tpu.enqueue_indirect_dma source(%dma_start3A_63 : memref<10112x64xf32, #tpu.memory_space<vmem_shared>>) target(%arg11 : memref<128x64xf32, #tpu.memory_space<vmem>>) offsets(%dma_start3A_60 : memref<128xi32, #tpu.memory_space<vmem>>) semaphore(%arg13 : memref<!tpu.dma_semaphore, #tpu.memory_space<semaphore_mem>>)
      %add3A_64 = arith.constant 1 : i32
      %add3A_65 = arith.addi %mul3A_32, %add3A_64 : i32
      "tpu.region"() ({
        %run_scoped3A_66 = tpu.sem_alloc : memref<!tpu.dma_semaphore, #tpu.memory_space<semaphore_mem>>
        %dma_start3A_67 = arith.constant 0 : i32
        %dma_start3A_68 = tpu.memref_slice %arg10[%add3A_65, %dma_start3A_67] : memref<80x128xi32, #tpu.memory_space<vmem>> -> memref<1x128xi32, #tpu.memory_space<vmem>>
        %dma_start3A_69 = tpu.memref_squeeze %dma_start3A_68 : memref<1x128xi32, #tpu.memory_space<vmem>> -> memref<128xi32, #tpu.memory_space<vmem>>
        %dma_start3A_70 = arith.constant 0 : i32
        %dma_start3A_71 = arith.constant 0 : i32
        %dma_start3A_72 = tpu.memref_slice %arg8[%dma_start3A_70, %dma_start3A_71] : memref<10112x64xf32, #tpu.memory_space<vmem_shared>> -> memref<10112x64xf32, #tpu.memory_space<vmem_shared>>
        tpu.enqueue_indirect_dma source(%arg12 : memref<128x64xf32, #tpu.memory_space<vmem>>) target(%dma_start3A_72 : memref<10112x64xf32, #tpu.memory_space<vmem_shared>>) offsets(%dma_start3A_69 : memref<128xi32, #tpu.memory_space<vmem>>) semaphore(%run_scoped3A_66 : memref<!tpu.dma_semaphore, #tpu.memory_space<semaphore_mem>>) {add = true}
        %dma_wait3A_73 = arith.constant 0 : i32
        %dma_wait3A_74 = tpu.memref_slice %arg10[%add3A_65, %dma_wait3A_73] : memref<80x128xi32, #tpu.memory_space<vmem>> -> memref<1x128xi32, #tpu.memory_space<vmem>>
        %dma_wait3A_75 = tpu.memref_squeeze %dma_wait3A_74 : memref<1x128xi32, #tpu.memory_space<vmem>> -> memref<128xi32, #tpu.memory_space<vmem>>
        %dma_wait3A_76 = arith.constant 0 : i32
        %dma_wait3A_77 = arith.constant 0 : i32
        %dma_wait3A_78 = tpu.memref_slice %arg8[%dma_wait3A_76, %dma_wait3A_77] : memref<10112x64xf32, #tpu.memory_space<vmem_shared>> -> memref<10112x64xf32, #tpu.memory_space<vmem_shared>>
        tpu.wait_indirect_dma semaphore(%run_scoped3A_66 : memref<!tpu.dma_semaphore, #tpu.memory_space<semaphore_mem>>) src(%arg12 : memref<128x64xf32, #tpu.memory_space<vmem>>) dst(%dma_wait3A_78 : memref<10112x64xf32, #tpu.memory_space<vmem_shared>>)
        tpu.yield
      }) : () -> ()
    }
    %scan3A_17 = arith.constant 40 : i32
    %dma_wait3A = arith.constant 0 : i32
    %dma_wait3A_18 = arith.constant 0 : i32
    %dma_wait3A_19 = tpu.memref_slice %arg9[%dma_wait3A, %dma_wait3A_18] : memref<80x128xi32, #tpu.memory_space<vmem>> -> memref<1x128xi32, #tpu.memory_space<vmem>>
    %dma_wait3A_20 = tpu.memref_squeeze %dma_wait3A_19 : memref<1x128xi32, #tpu.memory_space<vmem>> -> memref<128xi32, #tpu.memory_space<vmem>>
    %dma_wait3A_21 = arith.constant 0 : i32
    %dma_wait3A_22 = arith.constant 0 : i32
    %dma_wait3A_23 = tpu.memref_slice %arg7[%dma_wait3A_21, %dma_wait3A_22] : memref<10112x64xf32, #tpu.memory_space<vmem_shared>> -> memref<10112x64xf32, #tpu.memory_space<vmem_shared>>
    tpu.wait_indirect_dma semaphore(%arg13 : memref<!tpu.dma_semaphore, #tpu.memory_space<semaphore_mem>>) src(%dma_wait3A_23 : memref<10112x64xf32, #tpu.memory_space<vmem_shared>>) dst(%arg11 : memref<128x64xf32, #tpu.memory_space<vmem>>)
    %barrier3A_24 = arith.constant 0 : index
    tpu.barrier barrier_id(%barrier3A_24)
    %mul3A_25 = arith.constant 632 : i32
    %mul3A_26 = arith.muli %arg1, %mul3A_25 : i32
    %mul3A_27 = arith.constant 632 : i32
    %mul3A_28 = arith.muli %arg1, %mul3A_27 : i32
    %run_scoped3A_29 = arith.constant 0 : i32
    "tpu.region"() ({
      %run_scoped3A_30 = tpu.sem_alloc : memref<!tpu.dma_semaphore, #tpu.memory_space<semaphore_mem>>
      %dma_start3A_31 = arith.constant 0 : i32
      %dma_start3A_32 = arith.constant 0 : i32
      %dma_start3A_33 = arith.constant 0 : i32
      %dma_start3A_34 = tpu.memref_slice %arg6[%run_scoped3A_29, %dma_start3A_31, %dma_start3A_32, %dma_start3A_33] : memref<1x2x10112x64xf32, #tpu.memory_space<hbm>> -> memref<1x2x10112x64xf32, #tpu.memory_space<hbm>>
      %dma_start3A_35 = tpu.memref_squeeze %dma_start3A_34 : memref<1x2x10112x64xf32, #tpu.memory_space<hbm>> -> memref<2x10112x64xf32, #tpu.memory_space<hbm>>
      %dma_start3A_36 = arith.constant 0 : i32
      %dma_start3A_37 = arith.constant 0 : i32
      %dma_start3A_38 = tpu.memref_slice %dma_start3A_35[%arg0, %dma_start3A_36, %dma_start3A_37] : memref<2x10112x64xf32, #tpu.memory_space<hbm>> -> memref<1x10112x64xf32, #tpu.memory_space<hbm>>
      %dma_start3A_39 = tpu.memref_squeeze %dma_start3A_38 : memref<1x10112x64xf32, #tpu.memory_space<hbm>> -> memref<10112x64xf32, #tpu.memory_space<hbm>>
      %dma_start3A_40 = arith.constant 0 : i32
      %dma_start3A_41 = tpu.memref_slice %dma_start3A_39[%mul3A_28, %dma_start3A_40] : memref<10112x64xf32, #tpu.memory_space<hbm>> -> memref<632x64xf32, #tpu.memory_space<hbm>>
      %dma_start3A_42 = arith.constant 0 : i32
      %dma_start3A_43 = tpu.memref_slice %arg8[%mul3A_26, %dma_start3A_42] : memref<10112x64xf32, #tpu.memory_space<vmem_shared>> -> memref<632x64xf32, #tpu.memory_space<vmem_shared>>
      tpu.enqueue_dma source(%dma_start3A_43 : memref<632x64xf32, #tpu.memory_space<vmem_shared>>) target(%dma_start3A_41 : memref<632x64xf32, #tpu.memory_space<hbm>>) target_semaphore(%run_scoped3A_30 : memref<!tpu.dma_semaphore, #tpu.memory_space<semaphore_mem>>)
      %dma_wait3A_44 = arith.constant 0 : i32
      %dma_wait3A_45 = arith.constant 0 : i32
      %dma_wait3A_46 = arith.constant 0 : i32
      %dma_wait3A_47 = tpu.memref_slice %arg6[%run_scoped3A_29, %dma_wait3A_44, %dma_wait3A_45, %dma_wait3A_46] : memref<1x2x10112x64xf32, #tpu.memory_space<hbm>> -> memref<1x2x10112x64xf32, #tpu.memory_space<hbm>>
      %dma_wait3A_48 = tpu.memref_squeeze %dma_wait3A_47 : memref<1x2x10112x64xf32, #tpu.memory_space<hbm>> -> memref<2x10112x64xf32, #tpu.memory_space<hbm>>
      %dma_wait3A_49 = arith.constant 0 : i32
      %dma_wait3A_50 = arith.constant 0 : i32
      %dma_wait3A_51 = tpu.memref_slice %dma_wait3A_48[%arg0, %dma_wait3A_49, %dma_wait3A_50] : memref<2x10112x64xf32, #tpu.memory_space<hbm>> -> memref<1x10112x64xf32, #tpu.memory_space<hbm>>
      %dma_wait3A_52 = tpu.memref_squeeze %dma_wait3A_51 : memref<1x10112x64xf32, #tpu.memory_space<hbm>> -> memref<10112x64xf32, #tpu.memory_space<hbm>>
      %dma_wait3A_53 = arith.constant 0 : i32
      %dma_wait3A_54 = tpu.memref_slice %dma_wait3A_52[%mul3A_28, %dma_wait3A_53] : memref<10112x64xf32, #tpu.memory_space<hbm>> -> memref<632x64xf32, #tpu.memory_space<hbm>>
      %dma_wait3A_55 = arith.constant 0 : i32
      %dma_wait3A_56 = tpu.memref_slice %arg8[%mul3A_26, %dma_wait3A_55] : memref<10112x64xf32, #tpu.memory_space<vmem_shared>> -> memref<632x64xf32, #tpu.memory_space<vmem_shared>>
      tpu.wait_dma2 semaphore(%run_scoped3A_30 : memref<!tpu.dma_semaphore, #tpu.memory_space<semaphore_mem>>) src(%dma_wait3A_56 : memref<632x64xf32, #tpu.memory_space<vmem_shared>>) dst(%dma_wait3A_54 : memref<632x64xf32, #tpu.memory_space<hbm>>)
      tpu.yield
    }) : () -> ()
    return
  }
}

module attributes {stable_mosaic.version = 14 : i64} {
  func.func @_tc_l1_body(%arg0: i32, %arg1: memref<2x2x1000x64xf32, #tpu.memory_space<vmem>>, %arg2: memref<1000x128xf32, #tpu.memory_space<vmem>>, %arg3: memref<64x64xf32, #tpu.memory_space<vmem>>, %arg4: memref<64x64xf32, #tpu.memory_space<vmem>>, %arg5: memref<128x64xf32, #tpu.memory_space<vmem>>, %arg6: memref<1x64xf32, #tpu.memory_space<vmem>>, %arg7: memref<1000x64xf32, #tpu.memory_space<vmem>>) attributes {dimension_semantics = [#tpu.dimension_semantics<arbitrary>], iteration_bounds = array<i64: 10>, scalar_prefetch = 0 : i64, scratch_operands = 0 : i64, tpu.core_type = #tpu.core_type<tc>, window_params = [{transform_indices = @transform_0, window_bounds = array<i64: 2, 2, 1000, 64>}, {transform_indices = @transform_1, window_bounds = array<i64: 1000, 128>}, {pipeline_mode = #tpu.pipeline_mode<synchronous>, transform_indices = @transform_2, window_bounds = array<i64: 64, 64>}, {pipeline_mode = #tpu.pipeline_mode<synchronous>, transform_indices = @transform_3, window_bounds = array<i64: 64, 64>}, {pipeline_mode = #tpu.pipeline_mode<synchronous>, transform_indices = @transform_4, window_bounds = array<i64: 128, 64>}, {pipeline_mode = #tpu.pipeline_mode<synchronous>, transform_indices = @transform_5, window_bounds = array<i64: 1, 64>}, {transform_indices = @transform_6, window_bounds = array<i64: 1000, 64>}]} {
    %get3A = arith.constant 0 : index
    %get3A_0 = arith.constant 0 : index
    %get3A_1 = arith.constant 0 : index
    %get3A_2 = arith.constant 0 : index
    %get3A_3 = vector.load %arg1[%get3A, %get3A_0, %get3A_1, %get3A_2] : memref<2x2x1000x64xf32, #tpu.memory_space<vmem>>, vector<1x1x1000x64xf32>
    %get3A_4 = vector.shape_cast %get3A_3 : vector<1x1x1000x64xf32> to vector<1000x64xf32>
    %get3A_5 = arith.constant 0 : index
    %get3A_6 = arith.constant 1 : index
    %get3A_7 = arith.constant 0 : index
    %get3A_8 = arith.constant 0 : index
    %get3A_9 = vector.load %arg1[%get3A_5, %get3A_6, %get3A_7, %get3A_8] : memref<2x2x1000x64xf32, #tpu.memory_space<vmem>>, vector<1x1x1000x64xf32>
    %get3A_10 = vector.shape_cast %get3A_9 : vector<1x1x1000x64xf32> to vector<1000x64xf32>
    %add3A = arith.addf %get3A_4, %get3A_10 : vector<1000x64xf32>
    %get3A_11 = arith.constant 1 : index
    %get3A_12 = arith.constant 0 : index
    %get3A_13 = arith.constant 0 : index
    %get3A_14 = arith.constant 0 : index
    %get3A_15 = vector.load %arg1[%get3A_11, %get3A_12, %get3A_13, %get3A_14] : memref<2x2x1000x64xf32, #tpu.memory_space<vmem>>, vector<1x1x1000x64xf32>
    %get3A_16 = vector.shape_cast %get3A_15 : vector<1x1x1000x64xf32> to vector<1000x64xf32>
    %get3A_17 = arith.constant 1 : index
    %get3A_18 = arith.constant 1 : index
    %get3A_19 = arith.constant 0 : index
    %get3A_20 = arith.constant 0 : index
    %get3A_21 = vector.load %arg1[%get3A_17, %get3A_18, %get3A_19, %get3A_20] : memref<2x2x1000x64xf32, #tpu.memory_space<vmem>>, vector<1x1x1000x64xf32>
    %get3A_22 = vector.shape_cast %get3A_21 : vector<1x1x1000x64xf32> to vector<1000x64xf32>
    %add3A_23 = arith.addf %get3A_16, %get3A_22 : vector<1000x64xf32>
    %get3A_24 = arith.constant 0 : index
    %get3A_25 = arith.constant 0 : index
    %get3A_26 = vector.load %arg3[%get3A_24, %get3A_25] : memref<64x64xf32, #tpu.memory_space<vmem>>, vector<64x64xf32>
    %dot_general3A = arith.constant dense<0.000000e+00> : vector<1000x64xf32>
    %dot_general3A_27 = tpu.matmul %add3A, %get3A_26, %dot_general3A {dimension_numbers = #tpu.dot_dimension_numbers<[1], [0], [0], [1], [0, 0, 1, 1], [], []>, transpose_lhs_hint = false} : vector<1000x64xf32>, vector<64x64xf32>, vector<1000x64xf32> -> vector<1000x64xf32>
    %get3A_28 = arith.constant 0 : index
    %get3A_29 = arith.constant 0 : index
    %get3A_30 = vector.load %arg4[%get3A_28, %get3A_29] : memref<64x64xf32, #tpu.memory_space<vmem>>, vector<64x64xf32>
    %dot_general3A_31 = arith.constant dense<0.000000e+00> : vector<1000x64xf32>
    %dot_general3A_32 = tpu.matmul %add3A_23, %get3A_30, %dot_general3A_31 {dimension_numbers = #tpu.dot_dimension_numbers<[1], [0], [0], [1], [0, 0, 1, 1], [], []>, transpose_lhs_hint = false} : vector<1000x64xf32>, vector<64x64xf32>, vector<1000x64xf32> -> vector<1000x64xf32>
    %add3A_33 = arith.addf %dot_general3A_27, %dot_general3A_32 : vector<1000x64xf32>
    %get3A_34 = arith.constant 0 : index
    %get3A_35 = arith.constant 0 : index
    %get3A_36 = vector.load %arg2[%get3A_34, %get3A_35] : memref<1000x128xf32, #tpu.memory_space<vmem>>, vector<1000x128xf32>
    %get3A_37 = arith.constant 0 : index
    %get3A_38 = arith.constant 0 : index
    %get3A_39 = vector.load %arg5[%get3A_37, %get3A_38] : memref<128x64xf32, #tpu.memory_space<vmem>>, vector<128x64xf32>
    %dot_general3A_40 = arith.constant dense<0.000000e+00> : vector<1000x64xf32>
    %dot_general3A_41 = tpu.matmul %get3A_36, %get3A_39, %dot_general3A_40 {dimension_numbers = #tpu.dot_dimension_numbers<[1], [0], [0], [1], [0, 0, 1, 1], [], []>, transpose_lhs_hint = false} : vector<1000x128xf32>, vector<128x64xf32>, vector<1000x64xf32> -> vector<1000x64xf32>
    %add3A_42 = arith.addf %add3A_33, %dot_general3A_41 : vector<1000x64xf32>
    %get3A_43 = arith.constant 0 : index
    %get3A_44 = arith.constant 0 : index
    %get3A_45 = vector.load %arg6[%get3A_43, %get3A_44] : memref<1x64xf32, #tpu.memory_space<vmem>>, vector<1x64xf32>
    %add3A_46 = vector.broadcast %get3A_45 : vector<1x64xf32> to vector<1000x64xf32>
    %add3A_47 = arith.addf %add3A_42, %add3A_46 : vector<1000x64xf32>
    %max3A = arith.constant 0.000000e+00 : f32
    %max3A_48 = vector.broadcast %max3A : f32 to vector<1000x64xf32>
    %max3A_49 = arith.maximumf %add3A_47, %max3A_48 : vector<1000x64xf32>
    %swap3A = arith.constant 0 : index
    %swap3A_50 = arith.constant 0 : index
    %swap3A_51 = vector.load %arg7[%swap3A, %swap3A_50] : memref<1000x64xf32, #tpu.memory_space<vmem>>, vector<1000x64xf32>
    tpu.vector_store %arg7[%swap3A, %swap3A_50], %max3A_49 {strides = array<i32>} : memref<1000x64xf32, #tpu.memory_space<vmem>>, vector<1000x64xf32>,
    return
  }
  func.func @transform_0(%arg0: i32) -> (i32, i32, i32, i32) {
    %c0_i32 = arith.constant 0 : i32
    %c0_i32_0 = arith.constant 0 : i32
    %c0_i32_1 = arith.constant 0 : i32
    %c0_i32_2 = arith.constant 0 : i32
    return %c0_i32, %c0_i32_0, %arg0, %c0_i32_1 : i32, i32, i32, i32
  }
  func.func @transform_1(%arg0: i32) -> (i32, i32) {
    %c0_i32 = arith.constant 0 : i32
    %c0_i32_0 = arith.constant 0 : i32
    return %arg0, %c0_i32 : i32, i32
  }
  func.func @transform_2(%arg0: i32) -> (i32, i32) {
    %c0_i32 = arith.constant 0 : i32
    %c0_i32_0 = arith.constant 0 : i32
    %c0_i32_1 = arith.constant 0 : i32
    return %c0_i32, %c0_i32_0 : i32, i32
  }
  func.func @transform_3(%arg0: i32) -> (i32, i32) {
    %c0_i32 = arith.constant 0 : i32
    %c0_i32_0 = arith.constant 0 : i32
    %c0_i32_1 = arith.constant 0 : i32
    return %c0_i32, %c0_i32_0 : i32, i32
  }
  func.func @transform_4(%arg0: i32) -> (i32, i32) {
    %c0_i32 = arith.constant 0 : i32
    %c0_i32_0 = arith.constant 0 : i32
    %c0_i32_1 = arith.constant 0 : i32
    return %c0_i32, %c0_i32_0 : i32, i32
  }
  func.func @transform_5(%arg0: i32) -> (i32, i32) {
    %c0_i32 = arith.constant 0 : i32
    %c0_i32_0 = arith.constant 0 : i32
    %c0_i32_1 = arith.constant 0 : i32
    return %c0_i32, %c0_i32_0 : i32, i32
  }
  func.func @transform_6(%arg0: i32) -> (i32, i32) {
    %c0_i32 = arith.constant 0 : i32
    %c0_i32_0 = arith.constant 0 : i32
    return %arg0, %c0_i32 : i32, i32
  }
}

module attributes {stable_mosaic.version = 14 : i64} {
  func.func @_tc_post_body(%arg0: memref<2x10112x64xf32, #tpu.memory_space<vmem>>, %arg1: memref<10000x64xf32, #tpu.memory_space<vmem>>, %arg2: memref<10000x1xi32, #tpu.memory_space<vmem>>, %arg3: memref<64x64xf32, #tpu.memory_space<vmem>>, %arg4: memref<64x64xf32, #tpu.memory_space<vmem>>, %arg5: memref<1x64xf32, #tpu.memory_space<vmem>>, %arg6: memref<128x256xf32, #tpu.memory_space<vmem>>, %arg7: memref<64x256xf32, #tpu.memory_space<vmem>>, %arg8: memref<1x256xf32, #tpu.memory_space<vmem>>, %arg9: memref<1x256xf32, #tpu.memory_space<vmem>>, %arg10: memref<128x64xf32, #tpu.memory_space<vmem>>, %arg11: memref<1x64xf32, #tpu.memory_space<vmem>>, %arg12: memref<64x1xf32, #tpu.memory_space<vmem>>, %arg13: memref<1x1xf32, #tpu.memory_space<vmem>>, %arg14: memref<64x1xf32, #tpu.memory_space<vmem>>, %arg15: memref<10000x64xf32, #tpu.memory_space<vmem>>, %arg16: memref<10000x1xf32, #tpu.memory_space<vmem>>) attributes {dimension_semantics = [], scalar_prefetch = 0 : i64, scratch_operands = 2 : i64, tpu.core_type = #tpu.core_type<tc>} {
    %iota3A = tpu.iota {dimensions = array<i32: 1>} : vector<1x64xi32>
    %get3A = arith.constant 0 : index
    %get3A_0 = arith.constant 0 : index
    %get3A_1 = vector.load %arg8[%get3A, %get3A_0] : memref<1x256xf32, #tpu.memory_space<vmem>>, vector<1x256xf32>
    %get3A_2 = arith.constant 0 : index
    %get3A_3 = arith.constant 0 : index
    %get3A_4 = vector.load %arg9[%get3A_2, %get3A_3] : memref<1x256xf32, #tpu.memory_space<vmem>>, vector<1x256xf32>
    %add3A = arith.addf %get3A_1, %get3A_4 : vector<1x256xf32>
    %broadcast_in_dim3A = arith.constant 0.000000e+00 : f32
    %broadcast_in_dim3A_5 = vector.broadcast %broadcast_in_dim3A : f32 to vector<64x128xf32>
    %broadcast_in_dim3A_6 = arith.constant 0.000000e+00 : f32
    %broadcast_in_dim3A_7 = vector.broadcast %broadcast_in_dim3A_6 : f32 to vector<64x64xf32>
    %broadcast_in_dim3A_8 = arith.constant 0.000000e+00 : f32
    %broadcast_in_dim3A_9 = vector.broadcast %broadcast_in_dim3A_8 : f32 to vector<64x64xf32>
    %get3A_10 = arith.constant 0 : index
    %get3A_11 = arith.constant 0 : index
    %get3A_12 = vector.load %arg6[%get3A_10, %get3A_11] : memref<128x256xf32, #tpu.memory_space<vmem>>, vector<128x256xf32>
    %dot_general3A = arith.constant dense<0.000000e+00> : vector<64x256xf32>
    %dot_general3A_13 = tpu.matmul %broadcast_in_dim3A_5, %get3A_12, %dot_general3A {dimension_numbers = #tpu.dot_dimension_numbers<[1], [0], [0], [1], [0, 0, 1, 1], [], []>, transpose_lhs_hint = false} : vector<64x128xf32>, vector<128x256xf32>, vector<64x256xf32> -> vector<64x256xf32>
    %get3A_14 = arith.constant 0 : index
    %get3A_15 = arith.constant 0 : index
    %get3A_16 = vector.load %arg7[%get3A_14, %get3A_15] : memref<64x256xf32, #tpu.memory_space<vmem>>, vector<64x256xf32>
    %dot_general3A_17 = arith.constant dense<0.000000e+00> : vector<64x256xf32>
    %dot_general3A_18 = tpu.matmul %broadcast_in_dim3A_7, %get3A_16, %dot_general3A_17 {dimension_numbers = #tpu.dot_dimension_numbers<[1], [0], [0], [1], [0, 0, 1, 1], [], []>, transpose_lhs_hint = false} : vector<64x64xf32>, vector<64x256xf32>, vector<64x256xf32> -> vector<64x256xf32>
    %add3A_19 = arith.addf %dot_general3A_13, %dot_general3A_18 : vector<64x256xf32>
    %add3A_20 = vector.broadcast %add3A : vector<1x256xf32> to vector<64x256xf32>
    %add3A_21 = arith.addf %add3A_19, %add3A_20 : vector<64x256xf32>
    %slice3A = vector.extract_strided_slice %add3A_21 {offsets = [0, 0], sizes = [64, 64], strides = [1, 1]} : vector<64x256xf32> to vector<64x64xf32>
    %logistic3A = arith.negf %slice3A : vector<64x64xf32>
    %logistic3A_22 = math.exp %logistic3A : vector<64x64xf32>
    %logistic3A_23 = arith.constant 1.000000e+00 : f32
    %logistic3A_24 = vector.broadcast %logistic3A_23 : f32 to vector<64x64xf32>
    %logistic3A_25 = arith.addf %logistic3A_24, %logistic3A_22 : vector<64x64xf32>
    %logistic3A_26 = arith.divf %logistic3A_24, %logistic3A_25 : vector<64x64xf32>
    %slice3A_27 = vector.extract_strided_slice %add3A_21 {offsets = [0, 64], sizes = [64, 64], strides = [1, 1]} : vector<64x256xf32> to vector<64x64xf32>
    %logistic3A_28 = arith.negf %slice3A_27 : vector<64x64xf32>
    %logistic3A_29 = math.exp %logistic3A_28 : vector<64x64xf32>
    %logistic3A_30 = arith.constant 1.000000e+00 : f32
    %logistic3A_31 = vector.broadcast %logistic3A_30 : f32 to vector<64x64xf32>
    %logistic3A_32 = arith.addf %logistic3A_31, %logistic3A_29 : vector<64x64xf32>
    %logistic3A_33 = arith.divf %logistic3A_31, %logistic3A_32 : vector<64x64xf32>
    %slice3A_34 = vector.extract_strided_slice %add3A_21 {offsets = [0, 128], sizes = [64, 64], strides = [1, 1]} : vector<64x256xf32> to vector<64x64xf32>
    %tanh3A = math.tanh %slice3A_34 : vector<64x64xf32>
    %slice3A_35 = vector.extract_strided_slice %add3A_21 {offsets = [0, 192], sizes = [64, 64], strides = [1, 1]} : vector<64x256xf32> to vector<64x64xf32>
    %logistic3A_36 = arith.negf %slice3A_35 : vector<64x64xf32>
    %logistic3A_37 = math.exp %logistic3A_36 : vector<64x64xf32>
    %logistic3A_38 = arith.constant 1.000000e+00 : f32
    %logistic3A_39 = vector.broadcast %logistic3A_38 : f32 to vector<64x64xf32>
    %logistic3A_40 = arith.addf %logistic3A_39, %logistic3A_37 : vector<64x64xf32>
    %logistic3A_41 = arith.divf %logistic3A_39, %logistic3A_40 : vector<64x64xf32>
    %mul3A = arith.mulf %logistic3A_33, %broadcast_in_dim3A_9 : vector<64x64xf32>
    %mul3A_42 = arith.mulf %logistic3A_26, %tanh3A : vector<64x64xf32>
    %add3A_43 = arith.addf %mul3A, %mul3A_42 : vector<64x64xf32>
    %tanh3A_44 = math.tanh %add3A_43 : vector<64x64xf32>
    %mul3A_45 = arith.mulf %logistic3A_41, %tanh3A_44 : vector<64x64xf32>
    %broadcast_in_dim3A_46 = arith.constant 0xFF800000 : f32
    %broadcast_in_dim3A_47 = vector.broadcast %broadcast_in_dim3A_46 : f32 to vector<1x64xf32>
    %scan3A = arith.constant 0 : i32
    %scan3A_48 = arith.constant 10 : i32
    %scan3A_49 = arith.addi %scan3A, %scan3A_48 : i32
    %scan3A_50 = arith.constant 1 : i32
    %scan3A_51 = scf.for %scan3A_227 = %scan3A to %scan3A_49 step %scan3A_50 iter_args(%scan3A_228 = %broadcast_in_dim3A_47) -> (vector<1x64xf32>)  : i32 {
      %mul3A_229 = arith.constant 1000 : i32
      %mul3A_230 = arith.muli %scan3A_227, %mul3A_229 : i32
      %get3A_231 = arith.constant 0 : index
      %get3A_232 = arith.index_cast %mul3A_230 : i32 to index
      %get3A_233 = arith.constant 0 : index
      %get3A_234 = vector.load %arg0[%get3A_231, %get3A_232, %get3A_233] : memref<2x10112x64xf32, #tpu.memory_space<vmem>>, vector<1x1000x64xf32>
      %get3A_235 = vector.shape_cast %get3A_234 : vector<1x1000x64xf32> to vector<1000x64xf32>
      %get3A_236 = arith.constant 1 : index
      %get3A_237 = arith.index_cast %mul3A_230 : i32 to index
      %get3A_238 = arith.constant 0 : index
      %get3A_239 = vector.load %arg0[%get3A_236, %get3A_237, %get3A_238] : memref<2x10112x64xf32, #tpu.memory_space<vmem>>, vector<1x1000x64xf32>
      %get3A_240 = vector.shape_cast %get3A_239 : vector<1x1000x64xf32> to vector<1000x64xf32>
      %add3A_241 = arith.addf %get3A_235, %get3A_240 : vector<1000x64xf32>
      %get3A_242 = arith.constant 0 : index
      %get3A_243 = arith.constant 0 : index
      %get3A_244 = vector.load %arg3[%get3A_242, %get3A_243] : memref<64x64xf32, #tpu.memory_space<vmem>>, vector<64x64xf32>
      %dot_general3A_245 = arith.constant dense<0.000000e+00> : vector<1000x64xf32>
      %dot_general3A_246 = tpu.matmul %add3A_241, %get3A_244, %dot_general3A_245 {dimension_numbers = #tpu.dot_dimension_numbers<[1], [0], [0], [1], [0, 0, 1, 1], [], []>, transpose_lhs_hint = false} : vector<1000x64xf32>, vector<64x64xf32>, vector<1000x64xf32> -> vector<1000x64xf32>
      %get3A_247 = arith.index_cast %mul3A_230 : i32 to index
      %get3A_248 = arith.constant 0 : index
      %get3A_249 = vector.load %arg1[%get3A_247, %get3A_248] : memref<10000x64xf32, #tpu.memory_space<vmem>>, vector<1000x64xf32>
      %get3A_250 = arith.constant 0 : index
      %get3A_251 = arith.constant 0 : index
      %get3A_252 = vector.load %arg4[%get3A_250, %get3A_251] : memref<64x64xf32, #tpu.memory_space<vmem>>, vector<64x64xf32>
      %dot_general3A_253 = arith.constant dense<0.000000e+00> : vector<1000x64xf32>
      %dot_general3A_254 = tpu.matmul %get3A_249, %get3A_252, %dot_general3A_253 {dimension_numbers = #tpu.dot_dimension_numbers<[1], [0], [0], [1], [0, 0, 1, 1], [], []>, transpose_lhs_hint = false} : vector<1000x64xf32>, vector<64x64xf32>, vector<1000x64xf32> -> vector<1000x64xf32>
      %add3A_255 = arith.addf %dot_general3A_246, %dot_general3A_254 : vector<1000x64xf32>
      %get3A_256 = arith.constant 0 : index
      %get3A_257 = arith.constant 0 : index
      %get3A_258 = vector.load %arg5[%get3A_256, %get3A_257] : memref<1x64xf32, #tpu.memory_space<vmem>>, vector<1x64xf32>
      %add3A_259 = vector.broadcast %get3A_258 : vector<1x64xf32> to vector<1000x64xf32>
      %add3A_260 = arith.addf %add3A_255, %add3A_259 : vector<1000x64xf32>
      %max3A_261 = arith.constant 0.000000e+00 : f32
      %max3A_262 = vector.broadcast %max3A_261 : f32 to vector<1000x64xf32>
      %max3A_263 = arith.maximumf %add3A_260, %max3A_262 : vector<1000x64xf32>
      %swap3A_264 = arith.index_cast %mul3A_230 : i32 to index
      %swap3A_265 = arith.constant 0 : index
      %swap3A_266 = vector.load %arg15[%swap3A_264, %swap3A_265] : memref<10000x64xf32, #tpu.memory_space<vmem>>, vector<1000x64xf32>
      tpu.vector_store %arg15[%swap3A_264, %swap3A_265], %max3A_263 {strides = array<i32>} : memref<10000x64xf32, #tpu.memory_space<vmem>>, vector<1000x64xf32>,
      %get3A_267 = arith.index_cast %mul3A_230 : i32 to index
      %get3A_268 = arith.constant 0 : index
      %get3A_269 = vector.load %arg2[%get3A_267, %get3A_268] : memref<10000x1xi32, #tpu.memory_space<vmem>>, vector<1000x1xi32>
      %eq3A = vector.broadcast %get3A_269 : vector<1000x1xi32> to vector<1000x64xi32>
      %eq3A_270 = vector.broadcast %iota3A : vector<1x64xi32> to vector<1000x64xi32>
      %eq3A_271 = arith.cmpi eq, %eq3A, %eq3A_270 : vector<1000x64xi32>
      %convert_element_type3A = arith.extui %eq3A_271 : vector<1000x64xi1> to vector<1000x64xi32>
      %convert_element_type3A_272 = arith.sitofp %convert_element_type3A : vector<1000x64xi32> to vector<1000x64xf32>
      %dot_general3A_273 = arith.constant dense<0.000000e+00> : vector<1000x64xf32>
      %dot_general3A_274 = tpu.matmul %convert_element_type3A_272, %mul3A_45, %dot_general3A_273 {dimension_numbers = #tpu.dot_dimension_numbers<[1], [0], [0], [1], [0, 0, 1, 1], [], []>, precision = #tpu.contract_precision<fp32>, transpose_lhs_hint = false} : vector<1000x64xf32>, vector<64x64xf32>, vector<1000x64xf32> -> vector<1000x64xf32>
      %mul3A_275 = arith.mulf %max3A_263, %dot_general3A_274 : vector<1000x64xf32>
      %reduce_sum3A = arith.constant dense<0.000000e+00> : vector<1000xf32>
      %reduce_sum3A_276 = vector.multi_reduction <add>, %mul3A_275, %reduce_sum3A [1] : vector<1000x64xf32> to vector<1000xf32>
      %broadcast_in_dim3A_277 = vector.shape_cast %reduce_sum3A_276 : vector<1000xf32> to vector<1000x1xf32>
      %swap3A_278 = arith.index_cast %mul3A_230 : i32 to index
      %swap3A_279 = arith.constant 0 : index
      %swap3A_280 = vector.load %arg16[%swap3A_278, %swap3A_279] : memref<10000x1xf32, #tpu.memory_space<vmem>>, vector<1000x1xf32>
      tpu.vector_store %arg16[%swap3A_278, %swap3A_279], %broadcast_in_dim3A_277 {strides = array<i32>} : memref<10000x1xf32, #tpu.memory_space<vmem>>, vector<1000x1xf32>,
      %jit3A_281 = arith.constant 0xFF800000 : f32
      %broadcast_in_dim3A_282 = vector.shape_cast %broadcast_in_dim3A_277 : vector<1000x1xf32> to vector<1000x1xf32>
      %broadcast_in_dim3A_283 = vector.broadcast %broadcast_in_dim3A_282 : vector<1000x1xf32> to vector<1000x64xf32>
      %broadcast_in_dim3A_284 = vector.broadcast %jit3A_281 : f32 to vector<1000x64xf32>
      %select_n3A_285 = arith.select %eq3A_271, %broadcast_in_dim3A_283, %broadcast_in_dim3A_284 : vector<1000x64xi1>, vector<1000x64xf32>
      %reduce_max3A = arith.constant dense<0xFF800000> : vector<64xf32>
      %reduce_max3A_286 = vector.multi_reduction <maximumf>, %select_n3A_285, %reduce_max3A [0] : vector<1000x64xf32> to vector<64xf32>
      %broadcast_in_dim3A_287 = vector.shape_cast %reduce_max3A_286 : vector<64xf32> to vector<1x64xf32>
      %max3A_288 = arith.maximumf %scan3A_228, %broadcast_in_dim3A_287 : vector<1x64xf32>
      scf.yield %max3A_288 : vector<1x64xf32>
    }
    %scan3A_52 = arith.constant 10 : i32
    %broadcast_in_dim3A_53 = arith.constant 0.000000e+00 : f32
    %broadcast_in_dim3A_54 = vector.broadcast %broadcast_in_dim3A_53 : f32 to vector<64x1xf32>
    %broadcast_in_dim3A_55 = arith.constant 0.000000e+00 : f32
    %broadcast_in_dim3A_56 = vector.broadcast %broadcast_in_dim3A_55 : f32 to vector<64x64xf32>
    %scan3A_57 = arith.constant 0 : i32
    %scan3A_58 = arith.constant 10 : i32
    %scan3A_59 = arith.addi %scan3A_57, %scan3A_58 : i32
    %scan3A_60 = arith.constant 1 : i32
    %scan3A_61:2 = scf.for %scan3A_227 = %scan3A_57 to %scan3A_59 step %scan3A_60 iter_args(%scan3A_228 = %broadcast_in_dim3A_54, %scan3A_229 = %broadcast_in_dim3A_56) -> (vector<64x1xf32>, vector<64x64xf32>)  : i32 {
      %mul3A_230 = arith.constant 1000 : i32
      %mul3A_231 = arith.muli %scan3A_227, %mul3A_230 : i32
      %get3A_232 = arith.index_cast %mul3A_231 : i32 to index
      %get3A_233 = arith.constant 0 : index
      %get3A_234 = vector.load %arg2[%get3A_232, %get3A_233] : memref<10000x1xi32, #tpu.memory_space<vmem>>, vector<1000x1xi32>
      %eq3A = vector.broadcast %get3A_234 : vector<1000x1xi32> to vector<1000x64xi32>
      %eq3A_235 = vector.broadcast %iota3A : vector<1x64xi32> to vector<1000x64xi32>
      %eq3A_236 = arith.cmpi eq, %eq3A, %eq3A_235 : vector<1000x64xi32>
      %convert_element_type3A = arith.extui %eq3A_236 : vector<1000x64xi1> to vector<1000x64xi32>
      %convert_element_type3A_237 = arith.sitofp %convert_element_type3A : vector<1000x64xi32> to vector<1000x64xf32>
      %get3A_238 = arith.index_cast %mul3A_231 : i32 to index
      %get3A_239 = arith.constant 0 : index
      %get3A_240 = vector.load %arg15[%get3A_238, %get3A_239] : memref<10000x64xf32, #tpu.memory_space<vmem>>, vector<1000x64xf32>
      %get3A_241 = arith.index_cast %mul3A_231 : i32 to index
      %get3A_242 = arith.constant 0 : index
      %get3A_243 = vector.load %arg16[%get3A_241, %get3A_242] : memref<10000x1xf32, #tpu.memory_space<vmem>>, vector<1000x1xf32>
      %jit3A_244 = arith.constant 0.000000e+00 : f32
      %broadcast_in_dim3A_245 = vector.shape_cast %scan3A_51 : vector<1x64xf32> to vector<1x64xf32>
      %broadcast_in_dim3A_246 = vector.broadcast %broadcast_in_dim3A_245 : vector<1x64xf32> to vector<1000x64xf32>
      %broadcast_in_dim3A_247 = vector.broadcast %jit3A_244 : f32 to vector<1000x64xf32>
      %select_n3A_248 = arith.select %eq3A_236, %broadcast_in_dim3A_246, %broadcast_in_dim3A_247 : vector<1000x64xi1>, vector<1000x64xf32>
      %reduce_sum3A = arith.constant dense<0.000000e+00> : vector<1000xf32>
      %reduce_sum3A_249 = vector.multi_reduction <add>, %select_n3A_248, %reduce_sum3A [1] : vector<1000x64xf32> to vector<1000xf32>
      %broadcast_in_dim3A_250 = vector.shape_cast %reduce_sum3A_249 : vector<1000xf32> to vector<1000x1xf32>
      %sub3A = arith.subf %get3A_243, %broadcast_in_dim3A_250 : vector<1000x1xf32>
      %exp3A = math.exp %sub3A : vector<1000x1xf32>
      %dot_general3A_251 = arith.constant dense<0.000000e+00> : vector<64x1xf32>
      %dot_general3A_252 = tpu.matmul %convert_element_type3A_237, %exp3A, %dot_general3A_251 {dimension_numbers = #tpu.dot_dimension_numbers<[0], [0], [1], [1], [0, 1, 1, 1], [], []>, precision = #tpu.contract_precision<fp32>, transpose_lhs_hint = false} : vector<1000x64xf32>, vector<1000x1xf32>, vector<64x1xf32> -> vector<64x1xf32>
      %add3A_253 = arith.addf %scan3A_228, %dot_general3A_252 : vector<64x1xf32>
      %mul3A_254 = vector.broadcast %exp3A : vector<1000x1xf32> to vector<1000x64xf32>
      %mul3A_255 = arith.mulf %mul3A_254, %get3A_240 : vector<1000x64xf32>
      %dot_general3A_256 = arith.constant dense<0.000000e+00> : vector<64x64xf32>
      %dot_general3A_257 = tpu.matmul %convert_element_type3A_237, %mul3A_255, %dot_general3A_256 {dimension_numbers = #tpu.dot_dimension_numbers<[0], [0], [1], [1], [0, 1, 1, 1], [], []>, precision = #tpu.contract_precision<fp32>, transpose_lhs_hint = false} : vector<1000x64xf32>, vector<1000x64xf32>, vector<64x64xf32> -> vector<64x64xf32>
      %add3A_258 = arith.addf %scan3A_229, %dot_general3A_257 : vector<64x64xf32>
      scf.yield %add3A_253, %add3A_258 : vector<64x1xf32>, vector<64x64xf32>
    }
    %scan3A_62 = arith.constant 10 : i32
    %gt3A = arith.constant 0.000000e+00 : f32
    %gt3A_63 = vector.broadcast %gt3A : f32 to vector<64x1xf32>
    %gt3A_64 = arith.cmpf ogt, %scan3A_61#0, %gt3A_63 : vector<64x1xf32>
    %jit3A = arith.constant 1.000000e+00 : f32
    %broadcast_in_dim3A_65 = vector.broadcast %jit3A : f32 to vector<64x1xf32>
    %select_n3A = arith.select %gt3A_64, %scan3A_61#0, %broadcast_in_dim3A_65 : vector<64x1xi1>, vector<64x1xf32>
    %div3A = vector.broadcast %select_n3A : vector<64x1xf32> to vector<64x64xf32>
    %div3A_66 = arith.divf %scan3A_61#1, %div3A : vector<64x64xf32>
    %concatenate3A = tpu.concatenate %mul3A_45, %div3A_66 in 1 : vector<64x64xf32>, vector<64x64xf32> -> vector<64x128xf32>
    %get3A_67 = arith.constant 0 : index
    %get3A_68 = arith.constant 0 : index
    %get3A_69 = vector.load %arg6[%get3A_67, %get3A_68] : memref<128x256xf32, #tpu.memory_space<vmem>>, vector<128x256xf32>
    %dot_general3A_70 = arith.constant dense<0.000000e+00> : vector<64x256xf32>
    %dot_general3A_71 = tpu.matmul %concatenate3A, %get3A_69, %dot_general3A_70 {dimension_numbers = #tpu.dot_dimension_numbers<[1], [0], [0], [1], [0, 0, 1, 1], [], []>, transpose_lhs_hint = false} : vector<64x128xf32>, vector<128x256xf32>, vector<64x256xf32> -> vector<64x256xf32>
    %get3A_72 = arith.constant 0 : index
    %get3A_73 = arith.constant 0 : index
    %get3A_74 = vector.load %arg7[%get3A_72, %get3A_73] : memref<64x256xf32, #tpu.memory_space<vmem>>, vector<64x256xf32>
    %dot_general3A_75 = arith.constant dense<0.000000e+00> : vector<64x256xf32>
    %dot_general3A_76 = tpu.matmul %mul3A_45, %get3A_74, %dot_general3A_75 {dimension_numbers = #tpu.dot_dimension_numbers<[1], [0], [0], [1], [0, 0, 1, 1], [], []>, transpose_lhs_hint = false} : vector<64x64xf32>, vector<64x256xf32>, vector<64x256xf32> -> vector<64x256xf32>
    %add3A_77 = arith.addf %dot_general3A_71, %dot_general3A_76 : vector<64x256xf32>
    %add3A_78 = vector.broadcast %add3A : vector<1x256xf32> to vector<64x256xf32>
    %add3A_79 = arith.addf %add3A_77, %add3A_78 : vector<64x256xf32>
    %slice3A_80 = vector.extract_strided_slice %add3A_79 {offsets = [0, 0], sizes = [64, 64], strides = [1, 1]} : vector<64x256xf32> to vector<64x64xf32>
    %logistic3A_81 = arith.negf %slice3A_80 : vector<64x64xf32>
    %logistic3A_82 = math.exp %logistic3A_81 : vector<64x64xf32>
    %logistic3A_83 = arith.constant 1.000000e+00 : f32
    %logistic3A_84 = vector.broadcast %logistic3A_83 : f32 to vector<64x64xf32>
    %logistic3A_85 = arith.addf %logistic3A_84, %logistic3A_82 : vector<64x64xf32>
    %logistic3A_86 = arith.divf %logistic3A_84, %logistic3A_85 : vector<64x64xf32>
    %slice3A_87 = vector.extract_strided_slice %add3A_79 {offsets = [0, 64], sizes = [64, 64], strides = [1, 1]} : vector<64x256xf32> to vector<64x64xf32>
    %logistic3A_88 = arith.negf %slice3A_87 : vector<64x64xf32>
    %logistic3A_89 = math.exp %logistic3A_88 : vector<64x64xf32>
    %logistic3A_90 = arith.constant 1.000000e+00 : f32
    %logistic3A_91 = vector.broadcast %logistic3A_90 : f32 to vector<64x64xf32>
    %logistic3A_92 = arith.addf %logistic3A_91, %logistic3A_89 : vector<64x64xf32>
    %logistic3A_93 = arith.divf %logistic3A_91, %logistic3A_92 : vector<64x64xf32>
    %slice3A_94 = vector.extract_strided_slice %add3A_79 {offsets = [0, 128], sizes = [64, 64], strides = [1, 1]} : vector<64x256xf32> to vector<64x64xf32>
    %tanh3A_95 = math.tanh %slice3A_94 : vector<64x64xf32>
    %slice3A_96 = vector.extract_strided_slice %add3A_79 {offsets = [0, 192], sizes = [64, 64], strides = [1, 1]} : vector<64x256xf32> to vector<64x64xf32>
    %logistic3A_97 = arith.negf %slice3A_96 : vector<64x64xf32>
    %logistic3A_98 = math.exp %logistic3A_97 : vector<64x64xf32>
    %logistic3A_99 = arith.constant 1.000000e+00 : f32
    %logistic3A_100 = vector.broadcast %logistic3A_99 : f32 to vector<64x64xf32>
    %logistic3A_101 = arith.addf %logistic3A_100, %logistic3A_98 : vector<64x64xf32>
    %logistic3A_102 = arith.divf %logistic3A_100, %logistic3A_101 : vector<64x64xf32>
    %mul3A_103 = arith.mulf %logistic3A_93, %add3A_43 : vector<64x64xf32>
    %mul3A_104 = arith.mulf %logistic3A_86, %tanh3A_95 : vector<64x64xf32>
    %add3A_105 = arith.addf %mul3A_103, %mul3A_104 : vector<64x64xf32>
    %tanh3A_106 = math.tanh %add3A_105 : vector<64x64xf32>
    %mul3A_107 = arith.mulf %logistic3A_102, %tanh3A_106 : vector<64x64xf32>
    %broadcast_in_dim3A_108 = arith.constant 0xFF800000 : f32
    %broadcast_in_dim3A_109 = vector.broadcast %broadcast_in_dim3A_108 : f32 to vector<1x64xf32>
    %scan3A_110 = arith.constant 0 : i32
    %scan3A_111 = arith.constant 10 : i32
    %scan3A_112 = arith.addi %scan3A_110, %scan3A_111 : i32
    %scan3A_113 = arith.constant 1 : i32
    %scan3A_114 = scf.for %scan3A_227 = %scan3A_110 to %scan3A_112 step %scan3A_113 iter_args(%scan3A_228 = %broadcast_in_dim3A_109) -> (vector<1x64xf32>)  : i32 {
      %mul3A_229 = arith.constant 1000 : i32
      %mul3A_230 = arith.muli %scan3A_227, %mul3A_229 : i32
      %get3A_231 = arith.index_cast %mul3A_230 : i32 to index
      %get3A_232 = arith.constant 0 : index
      %get3A_233 = vector.load %arg15[%get3A_231, %get3A_232] : memref<10000x64xf32, #tpu.memory_space<vmem>>, vector<1000x64xf32>
      %get3A_234 = arith.index_cast %mul3A_230 : i32 to index
      %get3A_235 = arith.constant 0 : index
      %get3A_236 = vector.load %arg2[%get3A_234, %get3A_235] : memref<10000x1xi32, #tpu.memory_space<vmem>>, vector<1000x1xi32>
      %eq3A = vector.broadcast %get3A_236 : vector<1000x1xi32> to vector<1000x64xi32>
      %eq3A_237 = vector.broadcast %iota3A : vector<1x64xi32> to vector<1000x64xi32>
      %eq3A_238 = arith.cmpi eq, %eq3A, %eq3A_237 : vector<1000x64xi32>
      %convert_element_type3A = arith.extui %eq3A_238 : vector<1000x64xi1> to vector<1000x64xi32>
      %convert_element_type3A_239 = arith.sitofp %convert_element_type3A : vector<1000x64xi32> to vector<1000x64xf32>
      %dot_general3A_240 = arith.constant dense<0.000000e+00> : vector<1000x64xf32>
      %dot_general3A_241 = tpu.matmul %convert_element_type3A_239, %mul3A_107, %dot_general3A_240 {dimension_numbers = #tpu.dot_dimension_numbers<[1], [0], [0], [1], [0, 0, 1, 1], [], []>, precision = #tpu.contract_precision<fp32>, transpose_lhs_hint = false} : vector<1000x64xf32>, vector<64x64xf32>, vector<1000x64xf32> -> vector<1000x64xf32>
      %mul3A_242 = arith.mulf %get3A_233, %dot_general3A_241 : vector<1000x64xf32>
      %reduce_sum3A = arith.constant dense<0.000000e+00> : vector<1000xf32>
      %reduce_sum3A_243 = vector.multi_reduction <add>, %mul3A_242, %reduce_sum3A [1] : vector<1000x64xf32> to vector<1000xf32>
      %broadcast_in_dim3A_244 = vector.shape_cast %reduce_sum3A_243 : vector<1000xf32> to vector<1000x1xf32>
      %swap3A_245 = arith.index_cast %mul3A_230 : i32 to index
      %swap3A_246 = arith.constant 0 : index
      %swap3A_247 = vector.load %arg16[%swap3A_245, %swap3A_246] : memref<10000x1xf32, #tpu.memory_space<vmem>>, vector<1000x1xf32>
      tpu.vector_store %arg16[%swap3A_245, %swap3A_246], %broadcast_in_dim3A_244 {strides = array<i32>} : memref<10000x1xf32, #tpu.memory_space<vmem>>, vector<1000x1xf32>,
      %jit3A_248 = arith.constant 0xFF800000 : f32
      %broadcast_in_dim3A_249 = vector.shape_cast %broadcast_in_dim3A_244 : vector<1000x1xf32> to vector<1000x1xf32>
      %broadcast_in_dim3A_250 = vector.broadcast %broadcast_in_dim3A_249 : vector<1000x1xf32> to vector<1000x64xf32>
      %broadcast_in_dim3A_251 = vector.broadcast %jit3A_248 : f32 to vector<1000x64xf32>
      %select_n3A_252 = arith.select %eq3A_238, %broadcast_in_dim3A_250, %broadcast_in_dim3A_251 : vector<1000x64xi1>, vector<1000x64xf32>
      %reduce_max3A = arith.constant dense<0xFF800000> : vector<64xf32>
      %reduce_max3A_253 = vector.multi_reduction <maximumf>, %select_n3A_252, %reduce_max3A [0] : vector<1000x64xf32> to vector<64xf32>
      %broadcast_in_dim3A_254 = vector.shape_cast %reduce_max3A_253 : vector<64xf32> to vector<1x64xf32>
      %max3A_255 = arith.maximumf %scan3A_228, %broadcast_in_dim3A_254 : vector<1x64xf32>
      scf.yield %max3A_255 : vector<1x64xf32>
    }
    %scan3A_115 = arith.constant 10 : i32
    %broadcast_in_dim3A_116 = arith.constant 0.000000e+00 : f32
    %broadcast_in_dim3A_117 = vector.broadcast %broadcast_in_dim3A_116 : f32 to vector<64x1xf32>
    %broadcast_in_dim3A_118 = arith.constant 0.000000e+00 : f32
    %broadcast_in_dim3A_119 = vector.broadcast %broadcast_in_dim3A_118 : f32 to vector<64x64xf32>
    %scan3A_120 = arith.constant 0 : i32
    %scan3A_121 = arith.constant 10 : i32
    %scan3A_122 = arith.addi %scan3A_120, %scan3A_121 : i32
    %scan3A_123 = arith.constant 1 : i32
    %scan3A_124:2 = scf.for %scan3A_227 = %scan3A_120 to %scan3A_122 step %scan3A_123 iter_args(%scan3A_228 = %broadcast_in_dim3A_117, %scan3A_229 = %broadcast_in_dim3A_119) -> (vector<64x1xf32>, vector<64x64xf32>)  : i32 {
      %mul3A_230 = arith.constant 1000 : i32
      %mul3A_231 = arith.muli %scan3A_227, %mul3A_230 : i32
      %get3A_232 = arith.index_cast %mul3A_231 : i32 to index
      %get3A_233 = arith.constant 0 : index
      %get3A_234 = vector.load %arg2[%get3A_232, %get3A_233] : memref<10000x1xi32, #tpu.memory_space<vmem>>, vector<1000x1xi32>
      %eq3A = vector.broadcast %get3A_234 : vector<1000x1xi32> to vector<1000x64xi32>
      %eq3A_235 = vector.broadcast %iota3A : vector<1x64xi32> to vector<1000x64xi32>
      %eq3A_236 = arith.cmpi eq, %eq3A, %eq3A_235 : vector<1000x64xi32>
      %convert_element_type3A = arith.extui %eq3A_236 : vector<1000x64xi1> to vector<1000x64xi32>
      %convert_element_type3A_237 = arith.sitofp %convert_element_type3A : vector<1000x64xi32> to vector<1000x64xf32>
      %get3A_238 = arith.index_cast %mul3A_231 : i32 to index
      %get3A_239 = arith.constant 0 : index
      %get3A_240 = vector.load %arg15[%get3A_238, %get3A_239] : memref<10000x64xf32, #tpu.memory_space<vmem>>, vector<1000x64xf32>
      %get3A_241 = arith.index_cast %mul3A_231 : i32 to index
      %get3A_242 = arith.constant 0 : index
      %get3A_243 = vector.load %arg16[%get3A_241, %get3A_242] : memref<10000x1xf32, #tpu.memory_space<vmem>>, vector<1000x1xf32>
      %jit3A_244 = arith.constant 0.000000e+00 : f32
      %broadcast_in_dim3A_245 = vector.shape_cast %scan3A_114 : vector<1x64xf32> to vector<1x64xf32>
      %broadcast_in_dim3A_246 = vector.broadcast %broadcast_in_dim3A_245 : vector<1x64xf32> to vector<1000x64xf32>
      %broadcast_in_dim3A_247 = vector.broadcast %jit3A_244 : f32 to vector<1000x64xf32>
      %select_n3A_248 = arith.select %eq3A_236, %broadcast_in_dim3A_246, %broadcast_in_dim3A_247 : vector<1000x64xi1>, vector<1000x64xf32>
      %reduce_sum3A = arith.constant dense<0.000000e+00> : vector<1000xf32>
      %reduce_sum3A_249 = vector.multi_reduction <add>, %select_n3A_248, %reduce_sum3A [1] : vector<1000x64xf32> to vector<1000xf32>
      %broadcast_in_dim3A_250 = vector.shape_cast %reduce_sum3A_249 : vector<1000xf32> to vector<1000x1xf32>
      %sub3A = arith.subf %get3A_243, %broadcast_in_dim3A_250 : vector<1000x1xf32>
      %exp3A = math.exp %sub3A : vector<1000x1xf32>
      %dot_general3A_251 = arith.constant dense<0.000000e+00> : vector<64x1xf32>
      %dot_general3A_252 = tpu.matmul %convert_element_type3A_237, %exp3A, %dot_general3A_251 {dimension_numbers = #tpu.dot_dimension_numbers<[0], [0], [1], [1], [0, 1, 1, 1], [], []>, precision = #tpu.contract_precision<fp32>, transpose_lhs_hint = false} : vector<1000x64xf32>, vector<1000x1xf32>, vector<64x1xf32> -> vector<64x1xf32>
      %add3A_253 = arith.addf %scan3A_228, %dot_general3A_252 : vector<64x1xf32>
      %mul3A_254 = vector.broadcast %exp3A : vector<1000x1xf32> to vector<1000x64xf32>
      %mul3A_255 = arith.mulf %mul3A_254, %get3A_240 : vector<1000x64xf32>
      %dot_general3A_256 = arith.constant dense<0.000000e+00> : vector<64x64xf32>
      %dot_general3A_257 = tpu.matmul %convert_element_type3A_237, %mul3A_255, %dot_general3A_256 {dimension_numbers = #tpu.dot_dimension_numbers<[0], [0], [1], [1], [0, 1, 1, 1], [], []>, precision = #tpu.contract_precision<fp32>, transpose_lhs_hint = false} : vector<1000x64xf32>, vector<1000x64xf32>, vector<64x64xf32> -> vector<64x64xf32>
      %add3A_258 = arith.addf %scan3A_229, %dot_general3A_257 : vector<64x64xf32>
      scf.yield %add3A_253, %add3A_258 : vector<64x1xf32>, vector<64x64xf32>
    }
    %scan3A_125 = arith.constant 10 : i32
    %gt3A_126 = arith.constant 0.000000e+00 : f32
    %gt3A_127 = vector.broadcast %gt3A_126 : f32 to vector<64x1xf32>
    %gt3A_128 = arith.cmpf ogt, %scan3A_124#0, %gt3A_127 : vector<64x1xf32>
    %jit3A_129 = arith.constant 1.000000e+00 : f32
    %broadcast_in_dim3A_130 = vector.broadcast %jit3A_129 : f32 to vector<64x1xf32>
    %select_n3A_131 = arith.select %gt3A_128, %scan3A_124#0, %broadcast_in_dim3A_130 : vector<64x1xi1>, vector<64x1xf32>
    %div3A_132 = vector.broadcast %select_n3A_131 : vector<64x1xf32> to vector<64x64xf32>
    %div3A_133 = arith.divf %scan3A_124#1, %div3A_132 : vector<64x64xf32>
    %concatenate3A_134 = tpu.concatenate %mul3A_107, %div3A_133 in 1 : vector<64x64xf32>, vector<64x64xf32> -> vector<64x128xf32>
    %get3A_135 = arith.constant 0 : index
    %get3A_136 = arith.constant 0 : index
    %get3A_137 = vector.load %arg6[%get3A_135, %get3A_136] : memref<128x256xf32, #tpu.memory_space<vmem>>, vector<128x256xf32>
    %dot_general3A_138 = arith.constant dense<0.000000e+00> : vector<64x256xf32>
    %dot_general3A_139 = tpu.matmul %concatenate3A_134, %get3A_137, %dot_general3A_138 {dimension_numbers = #tpu.dot_dimension_numbers<[1], [0], [0], [1], [0, 0, 1, 1], [], []>, transpose_lhs_hint = false} : vector<64x128xf32>, vector<128x256xf32>, vector<64x256xf32> -> vector<64x256xf32>
    %get3A_140 = arith.constant 0 : index
    %get3A_141 = arith.constant 0 : index
    %get3A_142 = vector.load %arg7[%get3A_140, %get3A_141] : memref<64x256xf32, #tpu.memory_space<vmem>>, vector<64x256xf32>
    %dot_general3A_143 = arith.constant dense<0.000000e+00> : vector<64x256xf32>
    %dot_general3A_144 = tpu.matmul %mul3A_107, %get3A_142, %dot_general3A_143 {dimension_numbers = #tpu.dot_dimension_numbers<[1], [0], [0], [1], [0, 0, 1, 1], [], []>, transpose_lhs_hint = false} : vector<64x64xf32>, vector<64x256xf32>, vector<64x256xf32> -> vector<64x256xf32>
    %add3A_145 = arith.addf %dot_general3A_139, %dot_general3A_144 : vector<64x256xf32>
    %add3A_146 = vector.broadcast %add3A : vector<1x256xf32> to vector<64x256xf32>
    %add3A_147 = arith.addf %add3A_145, %add3A_146 : vector<64x256xf32>
    %slice3A_148 = vector.extract_strided_slice %add3A_147 {offsets = [0, 0], sizes = [64, 64], strides = [1, 1]} : vector<64x256xf32> to vector<64x64xf32>
    %logistic3A_149 = arith.negf %slice3A_148 : vector<64x64xf32>
    %logistic3A_150 = math.exp %logistic3A_149 : vector<64x64xf32>
    %logistic3A_151 = arith.constant 1.000000e+00 : f32
    %logistic3A_152 = vector.broadcast %logistic3A_151 : f32 to vector<64x64xf32>
    %logistic3A_153 = arith.addf %logistic3A_152, %logistic3A_150 : vector<64x64xf32>
    %logistic3A_154 = arith.divf %logistic3A_152, %logistic3A_153 : vector<64x64xf32>
    %slice3A_155 = vector.extract_strided_slice %add3A_147 {offsets = [0, 64], sizes = [64, 64], strides = [1, 1]} : vector<64x256xf32> to vector<64x64xf32>
    %logistic3A_156 = arith.negf %slice3A_155 : vector<64x64xf32>
    %logistic3A_157 = math.exp %logistic3A_156 : vector<64x64xf32>
    %logistic3A_158 = arith.constant 1.000000e+00 : f32
    %logistic3A_159 = vector.broadcast %logistic3A_158 : f32 to vector<64x64xf32>
    %logistic3A_160 = arith.addf %logistic3A_159, %logistic3A_157 : vector<64x64xf32>
    %logistic3A_161 = arith.divf %logistic3A_159, %logistic3A_160 : vector<64x64xf32>
    %slice3A_162 = vector.extract_strided_slice %add3A_147 {offsets = [0, 128], sizes = [64, 64], strides = [1, 1]} : vector<64x256xf32> to vector<64x64xf32>
    %tanh3A_163 = math.tanh %slice3A_162 : vector<64x64xf32>
    %slice3A_164 = vector.extract_strided_slice %add3A_147 {offsets = [0, 192], sizes = [64, 64], strides = [1, 1]} : vector<64x256xf32> to vector<64x64xf32>
    %logistic3A_165 = arith.negf %slice3A_164 : vector<64x64xf32>
    %logistic3A_166 = math.exp %logistic3A_165 : vector<64x64xf32>
    %logistic3A_167 = arith.constant 1.000000e+00 : f32
    %logistic3A_168 = vector.broadcast %logistic3A_167 : f32 to vector<64x64xf32>
    %logistic3A_169 = arith.addf %logistic3A_168, %logistic3A_166 : vector<64x64xf32>
    %logistic3A_170 = arith.divf %logistic3A_168, %logistic3A_169 : vector<64x64xf32>
    %mul3A_171 = arith.mulf %logistic3A_161, %add3A_105 : vector<64x64xf32>
    %mul3A_172 = arith.mulf %logistic3A_154, %tanh3A_163 : vector<64x64xf32>
    %add3A_173 = arith.addf %mul3A_171, %mul3A_172 : vector<64x64xf32>
    %tanh3A_174 = math.tanh %add3A_173 : vector<64x64xf32>
    %mul3A_175 = arith.mulf %logistic3A_170, %tanh3A_174 : vector<64x64xf32>
    %broadcast_in_dim3A_176 = arith.constant 0xFF800000 : f32
    %broadcast_in_dim3A_177 = vector.broadcast %broadcast_in_dim3A_176 : f32 to vector<1x64xf32>
    %scan3A_178 = arith.constant 0 : i32
    %scan3A_179 = arith.constant 10 : i32
    %scan3A_180 = arith.addi %scan3A_178, %scan3A_179 : i32
    %scan3A_181 = arith.constant 1 : i32
    %scan3A_182 = scf.for %scan3A_227 = %scan3A_178 to %scan3A_180 step %scan3A_181 iter_args(%scan3A_228 = %broadcast_in_dim3A_177) -> (vector<1x64xf32>)  : i32 {
      %mul3A_229 = arith.constant 1000 : i32
      %mul3A_230 = arith.muli %scan3A_227, %mul3A_229 : i32
      %get3A_231 = arith.index_cast %mul3A_230 : i32 to index
      %get3A_232 = arith.constant 0 : index
      %get3A_233 = vector.load %arg15[%get3A_231, %get3A_232] : memref<10000x64xf32, #tpu.memory_space<vmem>>, vector<1000x64xf32>
      %get3A_234 = arith.index_cast %mul3A_230 : i32 to index
      %get3A_235 = arith.constant 0 : index
      %get3A_236 = vector.load %arg2[%get3A_234, %get3A_235] : memref<10000x1xi32, #tpu.memory_space<vmem>>, vector<1000x1xi32>
      %eq3A = vector.broadcast %get3A_236 : vector<1000x1xi32> to vector<1000x64xi32>
      %eq3A_237 = vector.broadcast %iota3A : vector<1x64xi32> to vector<1000x64xi32>
      %eq3A_238 = arith.cmpi eq, %eq3A, %eq3A_237 : vector<1000x64xi32>
      %convert_element_type3A = arith.extui %eq3A_238 : vector<1000x64xi1> to vector<1000x64xi32>
      %convert_element_type3A_239 = arith.sitofp %convert_element_type3A : vector<1000x64xi32> to vector<1000x64xf32>
      %dot_general3A_240 = arith.constant dense<0.000000e+00> : vector<1000x64xf32>
      %dot_general3A_241 = tpu.matmul %convert_element_type3A_239, %mul3A_175, %dot_general3A_240 {dimension_numbers = #tpu.dot_dimension_numbers<[1], [0], [0], [1], [0, 0, 1, 1], [], []>, precision = #tpu.contract_precision<fp32>, transpose_lhs_hint = false} : vector<1000x64xf32>, vector<64x64xf32>, vector<1000x64xf32> -> vector<1000x64xf32>
      %mul3A_242 = arith.mulf %get3A_233, %dot_general3A_241 : vector<1000x64xf32>
      %reduce_sum3A = arith.constant dense<0.000000e+00> : vector<1000xf32>
      %reduce_sum3A_243 = vector.multi_reduction <add>, %mul3A_242, %reduce_sum3A [1] : vector<1000x64xf32> to vector<1000xf32>
      %broadcast_in_dim3A_244 = vector.shape_cast %reduce_sum3A_243 : vector<1000xf32> to vector<1000x1xf32>
      %swap3A_245 = arith.index_cast %mul3A_230 : i32 to index
      %swap3A_246 = arith.constant 0 : index
      %swap3A_247 = vector.load %arg16[%swap3A_245, %swap3A_246] : memref<10000x1xf32, #tpu.memory_space<vmem>>, vector<1000x1xf32>
      tpu.vector_store %arg16[%swap3A_245, %swap3A_246], %broadcast_in_dim3A_244 {strides = array<i32>} : memref<10000x1xf32, #tpu.memory_space<vmem>>, vector<1000x1xf32>,
      %jit3A_248 = arith.constant 0xFF800000 : f32
      %broadcast_in_dim3A_249 = vector.shape_cast %broadcast_in_dim3A_244 : vector<1000x1xf32> to vector<1000x1xf32>
      %broadcast_in_dim3A_250 = vector.broadcast %broadcast_in_dim3A_249 : vector<1000x1xf32> to vector<1000x64xf32>
      %broadcast_in_dim3A_251 = vector.broadcast %jit3A_248 : f32 to vector<1000x64xf32>
      %select_n3A_252 = arith.select %eq3A_238, %broadcast_in_dim3A_250, %broadcast_in_dim3A_251 : vector<1000x64xi1>, vector<1000x64xf32>
      %reduce_max3A = arith.constant dense<0xFF800000> : vector<64xf32>
      %reduce_max3A_253 = vector.multi_reduction <maximumf>, %select_n3A_252, %reduce_max3A [0] : vector<1000x64xf32> to vector<64xf32>
      %broadcast_in_dim3A_254 = vector.shape_cast %reduce_max3A_253 : vector<64xf32> to vector<1x64xf32>
      %max3A_255 = arith.maximumf %scan3A_228, %broadcast_in_dim3A_254 : vector<1x64xf32>
      scf.yield %max3A_255 : vector<1x64xf32>
    }
    %scan3A_183 = arith.constant 10 : i32
    %broadcast_in_dim3A_184 = arith.constant 0.000000e+00 : f32
    %broadcast_in_dim3A_185 = vector.broadcast %broadcast_in_dim3A_184 : f32 to vector<64x1xf32>
    %broadcast_in_dim3A_186 = arith.constant 0.000000e+00 : f32
    %broadcast_in_dim3A_187 = vector.broadcast %broadcast_in_dim3A_186 : f32 to vector<64x64xf32>
    %scan3A_188 = arith.constant 0 : i32
    %scan3A_189 = arith.constant 10 : i32
    %scan3A_190 = arith.addi %scan3A_188, %scan3A_189 : i32
    %scan3A_191 = arith.constant 1 : i32
    %scan3A_192:2 = scf.for %scan3A_227 = %scan3A_188 to %scan3A_190 step %scan3A_191 iter_args(%scan3A_228 = %broadcast_in_dim3A_185, %scan3A_229 = %broadcast_in_dim3A_187) -> (vector<64x1xf32>, vector<64x64xf32>)  : i32 {
      %mul3A_230 = arith.constant 1000 : i32
      %mul3A_231 = arith.muli %scan3A_227, %mul3A_230 : i32
      %get3A_232 = arith.index_cast %mul3A_231 : i32 to index
      %get3A_233 = arith.constant 0 : index
      %get3A_234 = vector.load %arg2[%get3A_232, %get3A_233] : memref<10000x1xi32, #tpu.memory_space<vmem>>, vector<1000x1xi32>
      %eq3A = vector.broadcast %get3A_234 : vector<1000x1xi32> to vector<1000x64xi32>
      %eq3A_235 = vector.broadcast %iota3A : vector<1x64xi32> to vector<1000x64xi32>
      %eq3A_236 = arith.cmpi eq, %eq3A, %eq3A_235 : vector<1000x64xi32>
      %convert_element_type3A = arith.extui %eq3A_236 : vector<1000x64xi1> to vector<1000x64xi32>
      %convert_element_type3A_237 = arith.sitofp %convert_element_type3A : vector<1000x64xi32> to vector<1000x64xf32>
      %get3A_238 = arith.index_cast %mul3A_231 : i32 to index
      %get3A_239 = arith.constant 0 : index
      %get3A_240 = vector.load %arg15[%get3A_238, %get3A_239] : memref<10000x64xf32, #tpu.memory_space<vmem>>, vector<1000x64xf32>
      %get3A_241 = arith.index_cast %mul3A_231 : i32 to index
      %get3A_242 = arith.constant 0 : index
      %get3A_243 = vector.load %arg16[%get3A_241, %get3A_242] : memref<10000x1xf32, #tpu.memory_space<vmem>>, vector<1000x1xf32>
      %jit3A_244 = arith.constant 0.000000e+00 : f32
      %broadcast_in_dim3A_245 = vector.shape_cast %scan3A_182 : vector<1x64xf32> to vector<1x64xf32>
      %broadcast_in_dim3A_246 = vector.broadcast %broadcast_in_dim3A_245 : vector<1x64xf32> to vector<1000x64xf32>
      %broadcast_in_dim3A_247 = vector.broadcast %jit3A_244 : f32 to vector<1000x64xf32>
      %select_n3A_248 = arith.select %eq3A_236, %broadcast_in_dim3A_246, %broadcast_in_dim3A_247 : vector<1000x64xi1>, vector<1000x64xf32>
      %reduce_sum3A = arith.constant dense<0.000000e+00> : vector<1000xf32>
      %reduce_sum3A_249 = vector.multi_reduction <add>, %select_n3A_248, %reduce_sum3A [1] : vector<1000x64xf32> to vector<1000xf32>
      %broadcast_in_dim3A_250 = vector.shape_cast %reduce_sum3A_249 : vector<1000xf32> to vector<1000x1xf32>
      %sub3A = arith.subf %get3A_243, %broadcast_in_dim3A_250 : vector<1000x1xf32>
      %exp3A = math.exp %sub3A : vector<1000x1xf32>
      %dot_general3A_251 = arith.constant dense<0.000000e+00> : vector<64x1xf32>
      %dot_general3A_252 = tpu.matmul %convert_element_type3A_237, %exp3A, %dot_general3A_251 {dimension_numbers = #tpu.dot_dimension_numbers<[0], [0], [1], [1], [0, 1, 1, 1], [], []>, precision = #tpu.contract_precision<fp32>, transpose_lhs_hint = false} : vector<1000x64xf32>, vector<1000x1xf32>, vector<64x1xf32> -> vector<64x1xf32>
      %add3A_253 = arith.addf %scan3A_228, %dot_general3A_252 : vector<64x1xf32>
      %mul3A_254 = vector.broadcast %exp3A : vector<1000x1xf32> to vector<1000x64xf32>
      %mul3A_255 = arith.mulf %mul3A_254, %get3A_240 : vector<1000x64xf32>
      %dot_general3A_256 = arith.constant dense<0.000000e+00> : vector<64x64xf32>
      %dot_general3A_257 = tpu.matmul %convert_element_type3A_237, %mul3A_255, %dot_general3A_256 {dimension_numbers = #tpu.dot_dimension_numbers<[0], [0], [1], [1], [0, 1, 1, 1], [], []>, precision = #tpu.contract_precision<fp32>, transpose_lhs_hint = false} : vector<1000x64xf32>, vector<1000x64xf32>, vector<64x64xf32> -> vector<64x64xf32>
      %add3A_258 = arith.addf %scan3A_229, %dot_general3A_257 : vector<64x64xf32>
      scf.yield %add3A_253, %add3A_258 : vector<64x1xf32>, vector<64x64xf32>
    }
    %scan3A_193 = arith.constant 10 : i32
    %gt3A_194 = arith.constant 0.000000e+00 : f32
    %gt3A_195 = vector.broadcast %gt3A_194 : f32 to vector<64x1xf32>
    %gt3A_196 = arith.cmpf ogt, %scan3A_192#0, %gt3A_195 : vector<64x1xf32>
    %jit3A_197 = arith.constant 1.000000e+00 : f32
    %broadcast_in_dim3A_198 = vector.broadcast %jit3A_197 : f32 to vector<64x1xf32>
    %select_n3A_199 = arith.select %gt3A_196, %scan3A_192#0, %broadcast_in_dim3A_198 : vector<64x1xi1>, vector<64x1xf32>
    %div3A_200 = vector.broadcast %select_n3A_199 : vector<64x1xf32> to vector<64x64xf32>
    %div3A_201 = arith.divf %scan3A_192#1, %div3A_200 : vector<64x64xf32>
    %concatenate3A_202 = tpu.concatenate %mul3A_175, %div3A_201 in 1 : vector<64x64xf32>, vector<64x64xf32> -> vector<64x128xf32>
    %get3A_203 = arith.constant 0 : index
    %get3A_204 = arith.constant 0 : index
    %get3A_205 = vector.load %arg10[%get3A_203, %get3A_204] : memref<128x64xf32, #tpu.memory_space<vmem>>, vector<128x64xf32>
    %dot_general3A_206 = arith.constant dense<0.000000e+00> : vector<64x64xf32>
    %dot_general3A_207 = tpu.matmul %concatenate3A_202, %get3A_205, %dot_general3A_206 {dimension_numbers = #tpu.dot_dimension_numbers<[1], [0], [0], [1], [0, 0, 1, 1], [], []>, transpose_lhs_hint = false} : vector<64x128xf32>, vector<128x64xf32>, vector<64x64xf32> -> vector<64x64xf32>
    %get3A_208 = arith.constant 0 : index
    %get3A_209 = arith.constant 0 : index
    %get3A_210 = vector.load %arg11[%get3A_208, %get3A_209] : memref<1x64xf32, #tpu.memory_space<vmem>>, vector<1x64xf32>
    %add3A_211 = vector.broadcast %get3A_210 : vector<1x64xf32> to vector<64x64xf32>
    %add3A_212 = arith.addf %dot_general3A_207, %add3A_211 : vector<64x64xf32>
    %max3A = arith.constant 0.000000e+00 : f32
    %max3A_213 = vector.broadcast %max3A : f32 to vector<64x64xf32>
    %max3A_214 = arith.maximumf %add3A_212, %max3A_213 : vector<64x64xf32>
    %get3A_215 = arith.constant 0 : index
    %get3A_216 = arith.constant 0 : index
    %get3A_217 = vector.load %arg12[%get3A_215, %get3A_216] : memref<64x1xf32, #tpu.memory_space<vmem>>, vector<64x1xf32>
    %dot_general3A_218 = arith.constant dense<0.000000e+00> : vector<64x1xf32>
    %dot_general3A_219 = tpu.matmul %max3A_214, %get3A_217, %dot_general3A_218 {dimension_numbers = #tpu.dot_dimension_numbers<[1], [0], [0], [1], [0, 0, 1, 1], [], []>, transpose_lhs_hint = false} : vector<64x64xf32>, vector<64x1xf32>, vector<64x1xf32> -> vector<64x1xf32>
    %get3A_220 = arith.constant 0 : index
    %get3A_221 = arith.constant 0 : index
    %get3A_222 = vector.load %arg13[%get3A_220, %get3A_221] : memref<1x1xf32, #tpu.memory_space<vmem>>, vector<1x1xf32>
    %add3A_223 = vector.broadcast %get3A_222 : vector<1x1xf32> to vector<64x1xf32>
    %add3A_224 = arith.addf %dot_general3A_219, %add3A_223 : vector<64x1xf32>
    %swap3A = arith.constant 0 : index
    %swap3A_225 = arith.constant 0 : index
    %swap3A_226 = vector.load %arg14[%swap3A, %swap3A_225] : memref<64x1xf32, #tpu.memory_space<vmem>>, vector<64x1xf32>
    tpu.vector_store %arg14[%swap3A, %swap3A_225], %add3A_224 {strides = array<i32>} : memref<64x1xf32, #tpu.memory_space<vmem>>, vector<64x1xf32>,
    return
  }
}

</mosaic_0001>

<sc_bundles>
// kernel: kernel.6.cloned.1.call-start
scs
__scs_entry_jumppad:
0x0: {  	(pc) =	sbr.rel $0x88, $3  }
0x1: {  	(tag) =	ssettag $0x0;
	lr =	simm.s32 $0x1  }
0x2: {  	[smem:$0x3F90] =	sst lr;
	_ =	strace $0xD0000000  }
0x3: {  	_ = 	snop  }
0x4: {  	_ = 	snop  }
0x5: {  	_ = 	snop  }
0x6: {  	_ = 	snop  }
0x7: {  	_ = 	snop  }
__scs_overlays_trampoline_lowered:
0x8: {  	[smem:$0x3F9F] =	sst s0  }
0x9: {  	[smem:$0x3FA0] =	sst s1  }
0xa: {  	[smem:$0x3FA1] =	sst s2  }
0xb: {  	[smem:$0x3FA2] =	sst s3  }
0xc: {  	[smem:$0x3FA3] =	sst s4  }
0xd: {  	[smem:$0x3FA4] =	sst s5  }
0xe: {  	[smem:$0x3FA5] =	sst s6  }
0xf: {  	[smem:$0x3FA6] =	sst s7  }
0x10: {  	[smem:$0x3FA7] =	sst s8  }
0x11: {  	[smem:$0x3FA8] =	sst s9;
	s0 =	simm.s32 @!p0 $0x0  }
0x12: {  	s1 =	sld [smem:$0x3F8E];
	s0 =	simm.s32 @p0 $0x1  }
0x13: {  	[smem:$0x3FA9] =	sst s0;
	s0 =	simm.s32 @!p1 $0x0  }
0x14: {  	s2 =	sld [smem:$0x3F8D];
	s0 =	simm.s32 @p1 $0x1  }
0x15: {  	[smem:$0x3FAA] =	sst s0;
	s0 =	simm.s32 @!p2 $0x0  }
0x16: {  	s3 =	sld [smem:$0x3FDB];
	s0 =	simm.s32 @p2 $0x1  }
0x17: {  	s4 =	simm.s32 $0x1BF5;
	[smem:$0x3FAC] =	sst s0  }
0x18: {  	s0 =	sld [smem:$0x3F8F];
	_ =	swait.ge [sflag:s4], $0x0  }
0x19: {  	s7 =	sld [smem:$0x3F90]  }
0x1a: {  	s8 =	sadd.s32 $0xFFFFE003, lr  }
0x1b: {  	s9 =	sadd.s32 $0xFFFFFEF7, lr;
	s5 =	simm.s32 $0xFFFFFFFF;
	p2 =	slt.u32 s8, $0xFFFFF086  }
0x1c: {  	p1 =	slt.u32 s9, $0xF7A;
	s5 =	simm.s32 @!p2 $0x0  }
0x1d: {  	s5 =	simm.s32 @p1 $0x1;
	p0 =	seq.s32 s7, s2  }
0x1e: {  	s7 =	smul.u32 @!p0 $0xF7A, s2;
	p2 =	seq.s32 @!p0 s5, $0x0  }
0x1f: {  	s9 =	smul.u32 $0xF7A, s1;
	s8 =	simm.s32 @!p0 $0x1BF5;
	p2 =	por !p2, p0  }
0x20: {  	[sflag:s8] =	ssyncset.s32 @!p0 $0xFFFFF086;
	s6 =	sadd.s32 @!p0 s3, s7;
	s7 =	simm.s32 @!p0 $0x108  }
0x21: {  	s3 =	sadd.s32 s3, s9;
	s6 =	sadd.s32 @!p0 $0x88, s6;
	s7 =	simm.s32 @p2 $0x1082  }
0x22: {  	[simem:s7], [sflag:s8] =	dma.local @!p0 [hbm:s6], $0xF7A  }
0x23: {  	s9 =	sor.u32 $0xD0000000, s2;
	s6 =	simm.s32 $0x108;
	_ =	swait.ge @!p0 [sflag:s8], $0x0  }
0x24: {  	s3 =	sadd.s32 $0x88, s3;
	s6 =	simm.s32 @!p1 $0x1082;
	[sflag:s4] =	ssyncset.s32 $0xFFFFF086  }
0x25: {  	[simem:s6], [sflag:s4] =	dma.local [hbm:s3], $0xF7A  }
0x26: {  	[smem:$0x3F90] =	sst s1;
	(tag) =	ssettag s2;
	_ =	strace s9  }
0x27: {  	s1 =	sld [smem:$0x3FA0]  }
0x28: {  	s2 =	sld [smem:$0x3FA1]  }
0x29: {  	s4 =	sld [smem:$0x3FA3]  }
0x2a: {  	p0 =	seq.s32 s5, $0x0;
	s5 =	sld [smem:$0x3FA4]  }
0x2b: {  	s6 =	sld [smem:$0x3FA5]  }
0x2c: {  	s7 =	sld [smem:$0x3FA6]  }
0x2d: {  	s3 =	simm.s32 $0x108;
	s8 =	sld [smem:$0x3FA7]  }
0x2e: {  	s3 =	simm.s32 @!p0 $0x1082;
	s9 =	sld [smem:$0x3FA8]  }
0x2f: {  	lr =	sadd.s32 s0, s3;
	s0 =	sld [smem:$0x3F9F]  }
0x30: {  	s3 =	sld [smem:$0x3FA2]  }
0x31: {  	[smem:$0x3FAB] =	sst s10  }
0x32: {  	s10 =	sld [smem:$0x3FA9];
	_ =	sdelay $0x3  }
0x33: {  	p0 =	seq.s32 s10, $0x1;
	s10 =	sld [smem:$0x3FAB];
	_ =	sdelay $0x3  }
0x34: {  	[smem:$0x3FAB] =	sst s10  }
0x35: {  	s10 =	sld [smem:$0x3FAA];
	_ =	sdelay $0x3  }
0x36: {  	p1 =	seq.s32 s10, $0x1;
	s10 =	sld [smem:$0x3FAB];
	_ =	sdelay $0x3  }
0x37: {  	[smem:$0x3FAB] =	sst s10  }
0x38: {  	s10 =	sld [smem:$0x3FAC]  }
0x39: {  	_ = 	snop;
	(pc) =	sbr.ind lr, $3  }
0x3a: {  	_ = 	snop  }
0x3b: {  	_ = 	snop  }
0x3c: {  	p2 =	seq.s32 s10, $0x1;
	s10 =	sld [smem:$0x3FAB]  }
0x3d: {  	_ =	shalt  }
0x3e: {  	_ =	shalt  }
0x3f: {  	_ =	shalt  }
0x40: {  	_ =	shalt  }
0x41: {  	_ =	shalt  }
0x42: {  	_ =	shalt  }
0x43: {  	_ =	shalt  }
0x44: {  	_ =	shalt  }
0x45: {  	_ =	shalt  }
0x46: {  	_ =	shalt  }
0x47: {  	_ =	shalt  }
0x48: {  	_ =	shalt  }
0x49: {  	_ =	shalt  }
0x4a: {  	_ =	shalt  }
0x4b: {  	_ =	shalt  }
0x4c: {  	_ =	shalt  }
0x4d: {  	_ =	shalt  }
0x4e: {  	_ =	shalt  }
0x4f: {  	_ =	shalt  }
0x50: {  	_ =	shalt  }
0x51: {  	_ =	shalt  }
0x52: {  	_ =	shalt  }
0x53: {  	_ =	shalt  }
0x54: {  	_ =	shalt  }
0x55: {  	_ =	shalt  }
0x56: {  	_ =	shalt  }
0x57: {  	_ =	shalt  }
0x58: {  	_ =	shalt  }
0x59: {  	_ =	shalt  }
0x5a: {  	_ =	shalt  }
0x5b: {  	_ =	shalt  }
0x5c: {  	_ =	shalt  }
0x5d: {  	_ =	shalt  }
0x5e: {  	_ =	shalt  }
0x5f: {  	_ =	shalt  }
0x60: {  	_ =	shalt  }
0x61: {  	_ =	shalt  }
0x62: {  	_ =	shalt  }
0x63: {  	_ =	shalt  }
0x64: {  	_ =	shalt  }
0x65: {  	_ =	shalt  }
0x66: {  	_ =	shalt  }
0x67: {  	_ =	shalt  }
0x68: {  	_ =	shalt  }
0x69: {  	_ =	shalt  }
0x6a: {  	_ =	shalt  }
0x6b: {  	_ =	shalt  }
0x6c: {  	_ =	shalt  }
0x6d: {  	_ =	shalt  }
0x6e: {  	_ =	shalt  }
0x6f: {  	_ =	shalt  }
0x70: {  	_ =	shalt  }
0x71: {  	_ =	shalt  }
0x72: {  	_ =	shalt  }
0x73: {  	_ =	shalt  }
0x74: {  	_ =	shalt  }
0x75: {  	_ =	shalt  }
0x76: {  	_ =	shalt  }
0x77: {  	_ =	shalt  }
0x78: {  	_ =	shalt  }
0x79: {  	_ =	shalt  }
0x7a: {  	_ =	shalt  }
0x7b: {  	_ =	shalt  }
0x7c: {  	_ =	shalt  }
0x7d: {  	_ =	shalt  }
0x7e: {  	_ =	shalt  }
0x7f: {  	_ =	shalt  }
0x80: {  	_ =	shalt  }
0x81: {  	_ =	shalt  }
0x82: {  	_ =	shalt  }
0x83: {  	_ =	shalt  }
0x84: {  	_ =	shalt  }
0x85: {  	_ =	shalt  }
0x86: {  	_ =	shalt  }
0x87: {  	_ =	shalt  }
.Lfunc_end0:
.L_simem_size_0:
called_computation_lowered:
.L_overlay_start_0:
0x88: {  	s2 =	sld [smem:$0x3FD9]  }
0x89: {  	s3 =	sld [smem:$0x3FFE];
	_ =	sdelay $0x1  }
0x8a: {  	s1 =	srdreg.scid  }
0x8b: {  	s0 =	sand.u32 $0x1, s1  }
0x8c: {  	s16 =	sshll.u32 s0, $0xA;
	s2 =	sadd.s32 s3, s2  }
0x8d: {  	s2 =	sadd.s32 s2, s16  }
0x8e: {  	[smem:$0x3FB7] =	sst s2  }
0x8f: {  	_ = 	snop  }
0x90: {  	(tm) =	ssettm $0x1  }
0x91: {  	s17 =	sld [smem:$0x3FFB];
	_ =	sdelay $0x3  }
0x92: {  	_ =	strace s17  }
0x93: {  	s2 =	sld [smem:$0x3FFC];
	_ =	sdelay $0x3  }
0x94: {  	_ =	strace s2  }
0x95: {  	s2 =	sld [smem:$0x3FFD];
	_ =	sdelay $0x3  }
0x96: {  	_ =	strace s2  }
0x97: {  	_ =	strace $0x8FFFFFFF  }
0x98: {  	s18 =	sld [smem:$0x3FDB];
	_ =	sdelay $0x1  }
0x99: {  	s19 =	simm.s32 $_scs_section_size  }
0x9a: {  	s4 =	simm.s32 $_size__tile_overlayer_lowered;
	s5 =	simm.s32 $_tile_overlayer_lowered  }
0x9b: {  	s22 =	simm.s32 $0x1BFF;
	s21 =	sshll.u32 s5, $0x1;
	s2 =	sadd.s32 s19, s18  }
0x9c: {  	s6 =	simm.s32 $0x0;
	s20 =	sshll.u32 s4, $0x1;
	s4 =	sadd.s32 s21, s2  }
0x9d: {  	[timem:s6], [sflag:s22] =	dma.local [hbm:s4], s20  }
0x9e: {  	_ =	swait.ge [sflag:s22], s20  }
0x9f: {  	s3 =	ssub.s32 $0x0, s20;
	[sflag:s22] =	ssyncset.done $0x0  }
0xa0: {  	[sflag:s22] =	ssyncadd.s32 s3;
	_ =	sdelay $0x1  }
0xa1: {  	s23 =	simm.s32 $0x1B8B  }
0xa2: {  	_ =	swait.ge [sflag:s23], $0x1  }
0xa3: {  	[sflag:s23] =	ssyncset.done $0x0  }
0xa4: {  	s25 =	simm.s32 $0x1B8E;
	s24 =	sld [smem:$0x3FFE];
	[sflag:s23] =	ssyncadd.s32 $0xFFFFFFFF  }
0xa5: {  	s26 =	simm.s32 $execute0_lowered;
	[smem:$0x3FD2] =	sst s25  }
0xa6: {  	s4 =	sshll.u32 s26, $0x1;
	_ =	strace $0x80000046;
	[dreg:$0x1] =	wrdreg $0xFFFFFFFF  }
0xa7: {  	s28 =	simm.s32 $_size_execute0_lowered;
	s2 =	sadd.s32 s2, s4;
	[dreg:$0x0] =	wrdreg $0x0  }
0xa8: {  	s4 =	sshll.u32 s28, $0x1;
	[dreg:$0x2] =	wrdreg s2  }
0xa9: {  	[dreg:$0x3] =	wrdreg s4  }
0xaa: {  	[dreg:$0x4] =	wrdreg $0xC0  }
0xab: {  	_ =	task [dreg:s6], $0x5FFFF  }
0xac: {  	[dreg:$0x1] =	wrdreg $0xFFFFFFFF  }
0xad: {  	[dreg:$0x0] =	wrdreg $0x60  }
0xae: {  	[dreg:$0x2] =	wrdreg s24  }
0xaf: {  	[dreg:$0x3] =	wrdreg $0x0  }
0xb0: {  	[dreg:$0x4] =	wrdreg $0x9E000  }
0xb1: {  	[dreg:$0x5] =	wrdreg $0x9  }
0xb2: {  	_ =	task.clear_ibuf [dreg:s6], $0x6FFFF;
	_ =	strace $0x90000046  }
0xb3: {  	s29 =	simm.s32 $0x9;
	_ =	strace $0x80000048  }
0xb4: {  	_ =	swait.ge [sflag:s29], $0x1  }
0xb5: {  	[sflag:s29] =	ssyncadd.s32 $0xFFFFFFFF  }
0xb6: {  	_ =	strace $0x90000048  }
0xb7: {  	_ =	sfence  }
0xb8: {  	s30 =	sld [smem:$0x0];
	_ =	sdelay $0x2  }
0xb9: {  	s31 =	sshll.u32 s1, $0xD;
	s1 =	sshrl.u32 s1, $0x2  }
0xba: {  	s3 =	sand.u32 $0x4000, s31;
	s1 =	sadd.s32 s1, s30  }
0xbb: {  	s0 =	sor.u32 s3, s0;
	s1 =	sshll.u32 s1, $0x11  }
0xbc: {  	s0 =	sor.u32 s1, s0  }
0xbd: {  	s0 =	sadd.s32 $0x8F2B, s0  }
0xbe: {  	[sflag:s0] =	ssyncadd.remote.s32 $0x1  }
0xbf: {  	_ =	sfence.sel $0xFFFF  }
0xc0: {  	[dreg:$0x0] =	wrdreg $0xFFFFFFFF;
	(pc) =	sbr.abs _section_cstart, $3  }
0xc1: {  	[dreg:$0x1] =	wrdreg $0xFFFFFFFF  }
0xc2: {  	_ =	task.clear_ibuf [dreg:s6], $0x2FFFF;
	_ =	strace $0x9FFFFFFF  }
0xc3: {  	(tm) =	ssettm $0x7FFFFFFF  }
tec
execute0_lowered:
.L_overlay_start_1:
0x0: {  	(tag) =	ssettag $0x1  }
0x1: {  	s9 =	rddreg [dreg:$0x0]  }
0x2: {  	s1 =	rddreg [dreg:$0x1]  }
0x3: {  	s0 =	srdreg.scid;
	s3 =	rddreg [dreg:$0x2]  }
0x4: {  	s2 =	stileid.u32;
	s4 =	simm.s32 $0x0;
	s16 =	simm.s32 $0x80  }
0x5: {  	s17 =	simm.s32 $0x18C00;
	s18 =	simm.s32 $0x1;
	s19 =	simm.s32 $0x1AC00  }
0x6: {  	s20 =	simm.s32 $0x2;
	s26 =	simm.s32 $0x18B80;
	s28 =	simm.s32 $0x0  }
0x7: {  	s5 =	sand.u32 $0x1, s0;
	s0 =	rddreg [dreg:$0x3];
	s8 =	smul.u32 $0x9E00, s2  }
0x8: {  	[smem:$0x7FF] =	sst s4;
	s23 =	sadd.s32 $0x16200, s9;
	s25 =	sadd.s32 $0x79200, s9  }
0x9: {  	s13 =	sshll.u32 s2, $0x6;
	s6 =	sshll.u32 s5, $0x4;
	s21 =	smul.u32 $0x13C00, s5  }
0xa: {  	s5 =	ssub.s32 $0x2, s5;
	_ =	strace $0x80000047;
	s13 =	sor.u32 $0x1C03, s13  }
0xb: {  	s6 =	sor.u32 s2, s6;
	s24 =	sshrl.u32 s8, $0x3;
	s7 =	sshrl.u32 s5, $0x1  }
0xc: {  	s14 =	sadd.s32 s8, s1;
	s15 =	sadd.s32 s8, s3;
	s6 =	smul.u32 $0x500, s6  }
0xd: {  	s10 =	sadd.s32 s24, s9;
	s11 =	sadd.s32 s21, s9;
	s12 =	ssub.s32 s5, s7  }
0xe: {  	s14 =	sshrl.u32 s14, $0x3;
	s15 =	sshrl.u32 s15, $0x3;
	s25 =	sadd.s32 s21, s25  }
0xf: {  	s21 =	simm.s32 $0x16380;
	s23 =	sadd.s32 s24, s23;
	s7 =	sadd.s32 $0x2600, s10  }
0x10: {  	s8 =	sadd.s32 $0x3DE00, s10;
	s22 =	sadd.s32 $0x51A00, s11;
	s10 =	simm.s32 $0x13C00  }
0x11: {  	s11 =	simm.s32 $0x3;
	s6 =	sadd.s32 s6, s9;
	s9 =	smax.u32 s12, $0x1  }
0x12: {  	s12 =	simm.s32 $0x16400;
	s22 =	sadd.s32 s24, s22;
	s24 =	sadd.s32 s24, s25  }
0x13: {  	s25 =	simm.s32 $0x18B00;
	s5 =	sadd.s32 $0x33E00, s6;
	s6 =	sadd.s32 $0x29E00, s6  }
.LBB2_1:
0x14: {  	[tilespmem:s10], [sflag:$0x3] =	stream.linear.gather [hbm4b:s5+s4], $0x2800, $0x38;
	[tilespmem:$0x1CC00] =	vst v63  }
0x15: {  	_ =	swait.ge [sflag:s11], $0x2800  }
0x16: {  	[sflag:s11] =	ssyncset.done $0x0  }
0x17: {  	[sflag:s11] =	ssyncadd.s32 $0xFFFFD800  }
0x18: {  	[tilespmem:s12], [sflag:$0x3] =	stream.linear.gather [hbm4b:s6+s4], $0x2800, $0x38;
	[tilespmem:$0x1CC00] =	vst v63  }
0x19: {  	_ =	swait.ge [sflag:s11], $0x2800  }
0x1a: {  	[sflag:s11] =	ssyncset.done $0x0  }
0x1b: {  	[sflag:s11] =	ssyncadd.s32 $0xFFFFD800  }
0x1c: {  	[spmem:s14], [sflag:s13] =	dma.local [hbm:s7], $0x13C0  }
0x1d: {  	_ =	swait.ge [sflag:s11], $0x13C0  }
0x1e: {  	[sflag:s11] =	ssyncset.done $0x0  }
0x1f: {  	[sflag:s11] =	ssyncadd.s32 $0xFFFFEC40  }
0x20: {  	[spmem:s15], [sflag:s13] =	dma.local [hbm:s8], $0x13C0  }
0x21: {  	_ =	swait.ge [sflag:s11], $0x13C0  }
0x22: {  	[sflag:s11] =	ssyncset.done $0x0  }
0x23: {  	[sflag:s11] =	ssyncadd.s32 $0xFFFFEC40  }
0x24: {  	[bflag:$0x0] =	sbarrier.arrive $0xFFFF  }
0x25: {  	[tilespmem:s17], [sflag:$0x1] =	stream.indirect.gather [spmem:s1], $0x40, s10, s16, $0xb8;
	[tilespmem:$0x1CC00] =	vst v63  }
0x26: {  	_ =	swait.ge [sflag:s18], $0x2000  }
0x27: {  	[sflag:s18] =	ssyncset.done $0x0  }
0x28: {  	s29 =	simm.s32 $0x13C80;
	[sflag:s18] =	ssyncadd.s32 $0xFFFFE000  }
0x29: {  	[tilespmem:s19], [sflag:$0x2] =	stream.indirect.gather [spmem:s1], $0x40, s29, s16, $0xb8;
	[tilespmem:$0x1CC00] =	vst v63  }
0x2a: {  	s29 =	simm.s32 $0x16400  }
0x2b: {  	[spmem:s3] =	stream.indirect.scatter.add.f32 [tilespmem:s17], [sflag:$0x3], $0x40, s29, s16, $0xb8;
	[tilespmem:$0x1CC00] =	vst v63  }
0x2c: {  	_ =	swait.ge [sflag:s11], $0x2000  }
0x2d: {  	[sflag:s11] =	ssyncset.done $0x0  }
0x2e: {  	[sflag:s11] =	ssyncadd.s32 $0xFFFFE000  }
0x2f: {  	_ =	swait.ge [sflag:s20], $0x2000  }
0x30: {  	[sflag:s20] =	ssyncset.done $0x0  }
0x31: {  	s29 =	simm.s32 $0x13D00;
	[sflag:s20] =	ssyncadd.s32 $0xFFFFE000  }
0x32: {  	[tilespmem:s17], [sflag:$0x1] =	stream.indirect.gather [spmem:s1], $0x40, s29, s16, $0xb8;
	[tilespmem:$0x1CC00] =	vst v63  }
0x33: {  	s29 =	simm.s32 $0x16480  }
0x34: {  	[spmem:s3] =	stream.indirect.scatter.add.f32 [tilespmem:s19], [sflag:$0x3], $0x40, s29, s16, $0xb8;
	[tilespmem:$0x1CC00] =	vst v63  }
0x35: {  	_ =	swait.ge [sflag:s11], $0x2000  }
0x36: {  	s29 =	simm.s32 $0x400;
	[sflag:s11] =	ssyncset.done $0x0  }
.LBB2_2:
0x37: {  	p0 =	sne.s32 s29, $0x9800  }
0x38: {  	[sflag:s11] =	ssyncadd.s32 $0xFFFFE000;
	s30 =	smov.u32 s29;
	s29 =	sadd.s32 $0x400, s29  }
0x39: {  	_ = 	snop  }
0x3a: {  	_ =	swait.ge [sflag:s18], $0x2000  }
0x3b: {  	s30 =	sshra.s32 s30, $0x2;
	[sflag:s18] =	ssyncset.done $0x0  }
0x3c: {  	s31 =	sadd.s32 $0x13C80, s30;
	[sflag:s18] =	ssyncadd.s32 $0xFFFFE000  }
0x3d: {  	[tilespmem:s19], [sflag:$0x2] =	stream.indirect.gather [spmem:s1], $0x40, s31, s16, $0xb8;
	[tilespmem:$0x1CC00] =	vst v63  }
0x3e: {  	s31 =	sadd.s32 $0x16400, s30  }
0x3f: {  	[spmem:s3] =	stream.indirect.scatter.add.f32 [tilespmem:s17], [sflag:$0x3], $0x40, s31, s16, $0xb8;
	[tilespmem:$0x1CC00] =	vst v63  }
0x40: {  	_ =	swait.ge [sflag:s11], $0x2000  }
0x41: {  	[sflag:s11] =	ssyncset.done $0x0  }
0x42: {  	[sflag:s11] =	ssyncadd.s32 $0xFFFFE000  }
0x43: {  	_ =	swait.ge [sflag:s20], $0x2000  }
0x44: {  	[sflag:s20] =	ssyncset.done $0x0  }
0x45: {  	s31 =	sadd.s32 $0x13D00, s30;
	[sflag:s20] =	ssyncadd.s32 $0xFFFFE000  }
0x46: {  	[tilespmem:s17], [sflag:$0x1] =	stream.indirect.gather [spmem:s1], $0x40, s31, s16, $0xb8;
	[tilespmem:$0x1CC00] =	vst v63  }
.Ltmp0:
0x47: {  	_ = 	snop;
	(pc) =	sbr.rel @p0 .LBB2_2-.Ltmp0, $4  }
0x48: {  	s30 =	sadd.s32 $0x16480, s30  }
0x49: {  	[spmem:s3] =	stream.indirect.scatter.add.f32 [tilespmem:s19], [sflag:$0x3], $0x40, s30, s16, $0xb8;
	[tilespmem:$0x1CC00] =	vst v63  }
0x4a: {  	_ =	swait.ge [sflag:s11], $0x2000  }
0x4b: {  	[sflag:s11] =	ssyncset.done $0x0  }
0x4c: {  	[sflag:s11] =	ssyncadd.s32 $0xFFFFE000  }
0x4d: {  	_ =	swait.ge [sflag:s18], $0x2000  }
0x4e: {  	[sflag:s18] =	ssyncset.done $0x0  }
0x4f: {  	[sflag:s18] =	ssyncadd.s32 $0xFFFFE000  }
0x50: {  	[tilespmem:s19], [sflag:$0x2] =	stream.indirect.gather [spmem:s1], $0x40, s21, s16, $0xb8;
	[tilespmem:$0x1CC00] =	vst v63  }
0x51: {  	_ = 	snop  }
0x52: {  	[spmem:s3] =	stream.indirect.scatter.add.f32 [tilespmem:s17], [sflag:$0x3], $0x40, s25, s16, $0xb8;
	[tilespmem:$0x1CC00] =	vst v63  }
0x53: {  	_ =	swait.ge [sflag:s11], $0x2000  }
0x54: {  	[sflag:s11] =	ssyncset.done $0x0  }
0x55: {  	[sflag:s11] =	ssyncadd.s32 $0xFFFFE000  }
0x56: {  	_ =	swait.ge [sflag:s20], $0x2000  }
0x57: {  	[sflag:s20] =	ssyncset.done $0x0  }
0x58: {  	[sflag:s20] =	ssyncadd.s32 $0xFFFFE000  }
0x59: {  	[tilespmem:s17], [sflag:$0x1] =	stream.indirect.gather [spmem:s1], $0x40, s21, s16, $0xb8;
	[tilespmem:$0x1CC00] =	vst v63  }
0x5a: {  	_ = 	snop  }
0x5b: {  	[spmem:s3] =	stream.indirect.scatter.add.f32 [tilespmem:s19], [sflag:$0x3], $0x40, s26, s16, $0xb8;
	[tilespmem:$0x1CC00] =	vst v63  }
0x5c: {  	_ =	swait.ge [sflag:s11], $0x2000  }
0x5d: {  	[sflag:s11] =	ssyncset.done $0x0  }
0x5e: {  	[sflag:s11] =	ssyncadd.s32 $0xFFFFE000  }
0x5f: {  	_ =	swait.ge [sflag:s18], $0x2000  }
0x60: {  	[sflag:s18] =	ssyncset.done $0x0  }
0x61: {  	[sflag:s18] =	ssyncadd.s32 $0xFFFFE000  }
0x62: {  	[bflag:$0x0] =	sbarrier.arrive $0xFFFF  }
0x63: {  	[hbm:s22], [sflag:s13] =	dma.local [spmem:s15], $0x13C0  }
0x64: {  	_ =	swait.ge [sflag:s11], $0x13C0  }
0x65: {  	[sflag:s11] =	ssyncset.done $0x0  }
0x66: {  	[sflag:s11] =	ssyncadd.s32 $0xFFFFEC40  }
0x67: {  	[spmem:s14], [sflag:s13] =	dma.local [hbm:s23], $0x13C0  }
0x68: {  	_ =	swait.ge [sflag:s11], $0x13C0  }
0x69: {  	[sflag:s11] =	ssyncset.done $0x0  }
0x6a: {  	[sflag:s11] =	ssyncadd.s32 $0xFFFFEC40  }
0x6b: {  	[spmem:s15], [sflag:s13] =	dma.local [hbm:s8], $0x13C0  }
0x6c: {  	_ =	swait.ge [sflag:s11], $0x13C0  }
0x6d: {  	[sflag:s11] =	ssyncset.done $0x0  }
0x6e: {  	[sflag:s11] =	ssyncadd.s32 $0xFFFFEC40  }
0x6f: {  	[bflag:$0x0] =	sbarrier.arrive $0xFFFF  }
0x70: {  	[tilespmem:s17], [sflag:$0x1] =	stream.indirect.gather [spmem:s1], $0x40, s10, s16, $0xb8;
	[tilespmem:$0x1CC00] =	vst v63  }
0x71: {  	_ =	swait.ge [sflag:s18], $0x2000  }
0x72: {  	[sflag:s18] =	ssyncset.done $0x0  }
0x73: {  	s29 =	simm.s32 $0x13C80;
	[sflag:s18] =	ssyncadd.s32 $0xFFFFE000  }
0x74: {  	[tilespmem:s19], [sflag:$0x2] =	stream.indirect.gather [spmem:s1], $0x40, s29, s16, $0xb8;
	[tilespmem:$0x1CC00] =	vst v63  }
0x75: {  	s29 =	simm.s32 $0x16400  }
0x76: {  	[spmem:s3] =	stream.indirect.scatter.add.f32 [tilespmem:s17], [sflag:$0x3], $0x40, s29, s16, $0xb8;
	[tilespmem:$0x1CC00] =	vst v63  }
0x77: {  	_ =	swait.ge [sflag:s11], $0x2000  }
0x78: {  	[sflag:s11] =	ssyncset.done $0x0  }
0x79: {  	[sflag:s11] =	ssyncadd.s32 $0xFFFFE000  }
0x7a: {  	_ =	swait.ge [sflag:s20], $0x2000  }
0x7b: {  	[sflag:s20] =	ssyncset.done $0x0  }
0x7c: {  	s29 =	simm.s32 $0x13D00;
	[sflag:s20] =	ssyncadd.s32 $0xFFFFE000  }
0x7d: {  	[tilespmem:s17], [sflag:$0x1] =	stream.indirect.gather [spmem:s1], $0x40, s29, s16, $0xb8;
	[tilespmem:$0x1CC00] =	vst v63  }
0x7e: {  	s29 =	simm.s32 $0x16480  }
0x7f: {  	[spmem:s3] =	stream.indirect.scatter.add.f32 [tilespmem:s19], [sflag:$0x3], $0x40, s29, s16, $0xb8;
	[tilespmem:$0x1CC00] =	vst v63  }
0x80: {  	_ =	swait.ge [sflag:s11], $0x2000  }
0x81: {  	s29 =	simm.s32 $0x400;
	[sflag:s11] =	ssyncset.done $0x0  }
.LBB2_4:
0x82: {  	p0 =	sne.s32 s29, $0x9800  }
0x83: {  	[sflag:s11] =	ssyncadd.s32 $0xFFFFE000;
	s30 =	smov.u32 s29;
	s29 =	sadd.s32 $0x400, s29  }
0x84: {  	_ = 	snop  }
0x85: {  	_ =	swait.ge [sflag:s18], $0x2000  }
0x86: {  	s30 =	sshra.s32 s30, $0x2;
	[sflag:s18] =	ssyncset.done $0x0  }
0x87: {  	s31 =	sadd.s32 $0x13C80, s30;
	[sflag:s18] =	ssyncadd.s32 $0xFFFFE000  }
0x88: {  	[tilespmem:s19], [sflag:$0x2] =	stream.indirect.gather [spmem:s1], $0x40, s31, s16, $0xb8;
	[tilespmem:$0x1CC00] =	vst v63  }
0x89: {  	s31 =	sadd.s32 $0x16400, s30  }
0x8a: {  	[spmem:s3] =	stream.indirect.scatter.add.f32 [tilespmem:s17], [sflag:$0x3], $0x40, s31, s16, $0xb8;
	[tilespmem:$0x1CC00] =	vst v63  }
0x8b: {  	_ =	swait.ge [sflag:s11], $0x2000  }
0x8c: {  	[sflag:s11] =	ssyncset.done $0x0  }
0x8d: {  	[sflag:s11] =	ssyncadd.s32 $0xFFFFE000  }
0x8e: {  	_ =	swait.ge [sflag:s20], $0x2000  }
0x8f: {  	[sflag:s20] =	ssyncset.done $0x0  }
0x90: {  	s31 =	sadd.s32 $0x13D00, s30;
	[sflag:s20] =	ssyncadd.s32 $0xFFFFE000  }
0x91: {  	[tilespmem:s17], [sflag:$0x1] =	stream.indirect.gather [spmem:s1], $0x40, s31, s16, $0xb8;
	[tilespmem:$0x1CC00] =	vst v63  }
.Ltmp1:
0x92: {  	_ = 	snop;
	(pc) =	sbr.rel @p0 .LBB2_4-.Ltmp1, $4  }
0x93: {  	s30 =	sadd.s32 $0x16480, s30  }
0x94: {  	[spmem:s3] =	stream.indirect.scatter.add.f32 [tilespmem:s19], [sflag:$0x3], $0x40, s30, s16, $0xb8;
	[tilespmem:$0x1CC00] =	vst v63  }
0x95: {  	_ =	swait.ge [sflag:s11], $0x2000  }
0x96: {  	[sflag:s11] =	ssyncset.done $0x0  }
0x97: {  	[sflag:s11] =	ssyncadd.s32 $0xFFFFE000  }
0x98: {  	_ =	swait.ge [sflag:s18], $0x2000  }
0x99: {  	[sflag:s18] =	ssyncset.done $0x0  }
0x9a: {  	[sflag:s18] =	ssyncadd.s32 $0xFFFFE000  }
0x9b: {  	[tilespmem:s19], [sflag:$0x2] =	stream.indirect.gather [spmem:s1], $0x40, s21, s16, $0xb8;
	[tilespmem:$0x1CC00] =	vst v63  }
0x9c: {  	_ = 	snop  }
0x9d: {  	[spmem:s3] =	stream.indirect.scatter.add.f32 [tilespmem:s17], [sflag:$0x3], $0x40, s25, s16, $0xb8;
	[tilespmem:$0x1CC00] =	vst v63  }
0x9e: {  	_ =	swait.ge [sflag:s11], $0x2000  }
0x9f: {  	[sflag:s11] =	ssyncset.done $0x0  }
0xa0: {  	[sflag:s11] =	ssyncadd.s32 $0xFFFFE000  }
0xa1: {  	_ =	swait.ge [sflag:s20], $0x2000  }
0xa2: {  	[sflag:s20] =	ssyncset.done $0x0  }
0xa3: {  	[sflag:s20] =	ssyncadd.s32 $0xFFFFE000  }
0xa4: {  	[tilespmem:s17], [sflag:$0x1] =	stream.indirect.gather [spmem:s1], $0x40, s21, s16, $0xb8;
	[tilespmem:$0x1CC00] =	vst v63  }
0xa5: {  	_ = 	snop  }
0xa6: {  	[spmem:s3] =	stream.indirect.scatter.add.f32 [tilespmem:s19], [sflag:$0x3], $0x40, s26, s16, $0xb8;
	[tilespmem:$0x1CC00] =	vst v63  }
0xa7: {  	_ =	swait.ge [sflag:s11], $0x2000  }
0xa8: {  	[sflag:s11] =	ssyncset.done $0x0  }
0xa9: {  	[sflag:s11] =	ssyncadd.s32 $0xFFFFE000  }
0xaa: {  	_ =	swait.ge [sflag:s18], $0x2000  }
0xab: {  	s28 =	sadd.s32 $0x1, s28;
	[sflag:s18] =	ssyncset.done $0x0  }
0xac: {  	p0 =	sne.s32 s28, s9;
	[sflag:s18] =	ssyncadd.s32 $0xFFFFE000  }
.Ltmp2:
0xad: {  	[bflag:$0x0] =	sbarrier.arrive $0xFFFF;
	(pc) =	sbr.rel @p0 .LBB2_1-.Ltmp2, $4  }
0xae: {  	[hbm:s24], [sflag:s13] =	dma.local [spmem:s15], $0x13C0  }
0xaf: {  	_ =	swait.ge [sflag:s11], $0x13C0  }
0xb0: {  	[sflag:s11] =	ssyncset.done $0x0  }
0xb1: {  	[sflag:s11] =	ssyncadd.s32 $0xFFFFEC40  }
0xb2: {  	_ =	sfence.sel $0x180000  }
0xb3: {  	[bflag:$0x0] =	sbarrier.arrive $0xFFFF  }
0xb4: {  	p0 =	sne.s32 s2, $0x0;
	_ =	strace $0x90000047  }
0xb5: {  	s0 =	sadd.s32 @!p0 $0x100000, s0;
	[bflag:$0x2] =	sbarrier.arrive $0xFFFF  }
0xb6: {  	[sflag:s0] =	ssyncadd.tile.s32 @!p0 $0x1;
	_ =	shalt  }
.Lfunc_end2:
_tile_overlayer_lowered:
.L_overlay_start_2:
0xb7: {  	(tag) =	ssettag $0x2  }
0xb8: {  	s0 =	rddreg [dreg:$0x0];
	s2 =	stileid.u32  }
0xb9: {  	s1 =	rddreg [dreg:$0x1];
	p0 =	sne.s32 s2, $0x0  }
0xba: {  	s3 =	rddreg [dreg:$0x2];
	[bflag:$0x3] =	sbarrier.arrive $0xFFFF;
	s2 =	simm.s32 @!p0 $0x1C03  }
0xbb: {  	[timem:s3], [sflag:s2] =	dma.local @!p0 [hbm:s0], s1  }
0xbc: {  	s0 =	simm.s32 @!p0 $0x3  }
0xbd: {  	_ =	swait.ge @!p0 [sflag:s0], s1  }
0xbe: {  	s1 =	ssub.s32 @!p0 $0x0, s1;
	[sflag:s0] =	ssyncset.done @!p0 $0x0  }
0xbf: {  	[sflag:s0] =	ssyncadd.s32 @!p0 s1  }
0xc0: {  	[bflag:$0x3] =	sbarrier.arrive $0xFFFF  }
0xc1: {  	_ =	shalt  }

// kernel: kernel.9.cloned.1.call-start
scs
__scs_entry_jumppad:
0x0: {  	(pc) =	sbr.rel $0x88, $3  }
0x1: {  	(tag) =	ssettag $0x0;
	lr =	simm.s32 $0x1  }
0x2: {  	[smem:$0x3F90] =	sst lr;
	_ =	strace $0xD0000000  }
0x3: {  	_ = 	snop  }
0x4: {  	_ = 	snop  }
0x5: {  	_ = 	snop  }
0x6: {  	_ = 	snop  }
0x7: {  	_ = 	snop  }
__scs_overlays_trampoline_lowered:
0x8: {  	[smem:$0x3F9F] =	sst s0  }
0x9: {  	[smem:$0x3FA0] =	sst s1  }
0xa: {  	[smem:$0x3FA1] =	sst s2  }
0xb: {  	[smem:$0x3FA2] =	sst s3  }
0xc: {  	[smem:$0x3FA3] =	sst s4  }
0xd: {  	[smem:$0x3FA4] =	sst s5  }
0xe: {  	[smem:$0x3FA5] =	sst s6  }
0xf: {  	[smem:$0x3FA6] =	sst s7  }
0x10: {  	[smem:$0x3FA7] =	sst s8  }
0x11: {  	[smem:$0x3FA8] =	sst s9;
	s0 =	simm.s32 @!p0 $0x0  }
0x12: {  	s1 =	sld [smem:$0x3F8E];
	s0 =	simm.s32 @p0 $0x1  }
0x13: {  	[smem:$0x3FA9] =	sst s0;
	s0 =	simm.s32 @!p1 $0x0  }
0x14: {  	s2 =	sld [smem:$0x3F8D];
	s0 =	simm.s32 @p1 $0x1  }
0x15: {  	[smem:$0x3FAA] =	sst s0;
	s0 =	simm.s32 @!p2 $0x0  }
0x16: {  	s3 =	sld [smem:$0x3FDB];
	s0 =	simm.s32 @p2 $0x1  }
0x17: {  	s4 =	simm.s32 $0x1BF5;
	[smem:$0x3FAC] =	sst s0  }
0x18: {  	s0 =	sld [smem:$0x3F8F];
	_ =	swait.ge [sflag:s4], $0x0  }
0x19: {  	s7 =	sld [smem:$0x3F90]  }
0x1a: {  	s8 =	sadd.s32 $0xFFFFE003, lr  }
0x1b: {  	s9 =	sadd.s32 $0xFFFFFEF7, lr;
	s5 =	simm.s32 $0xFFFFFFFF;
	p2 =	slt.u32 s8, $0xFFFFF086  }
0x1c: {  	p1 =	slt.u32 s9, $0xF7A;
	s5 =	simm.s32 @!p2 $0x0  }
0x1d: {  	s5 =	simm.s32 @p1 $0x1;
	p0 =	seq.s32 s7, s2  }
0x1e: {  	s7 =	smul.u32 @!p0 $0xF7A, s2;
	p2 =	seq.s32 @!p0 s5, $0x0  }
0x1f: {  	s9 =	smul.u32 $0xF7A, s1;
	s8 =	simm.s32 @!p0 $0x1BF5;
	p2 =	por !p2, p0  }
0x20: {  	[sflag:s8] =	ssyncset.s32 @!p0 $0xFFFFF086;
	s6 =	sadd.s32 @!p0 s3, s7;
	s7 =	simm.s32 @!p0 $0x108  }
0x21: {  	s3 =	sadd.s32 s3, s9;
	s6 =	sadd.s32 @!p0 $0x88, s6;
	s7 =	simm.s32 @p2 $0x1082  }
0x22: {  	[simem:s7], [sflag:s8] =	dma.local @!p0 [hbm:s6], $0xF7A  }
0x23: {  	s9 =	sor.u32 $0xD0000000, s2;
	s6 =	simm.s32 $0x108;
	_ =	swait.ge @!p0 [sflag:s8], $0x0  }
0x24: {  	s3 =	sadd.s32 $0x88, s3;
	s6 =	simm.s32 @!p1 $0x1082;
	[sflag:s4] =	ssyncset.s32 $0xFFFFF086  }
0x25: {  	[simem:s6], [sflag:s4] =	dma.local [hbm:s3], $0xF7A  }
0x26: {  	[smem:$0x3F90] =	sst s1;
	(tag) =	ssettag s2;
	_ =	strace s9  }
0x27: {  	s1 =	sld [smem:$0x3FA0]  }
0x28: {  	s2 =	sld [smem:$0x3FA1]  }
0x29: {  	s4 =	sld [smem:$0x3FA3]  }
0x2a: {  	p0 =	seq.s32 s5, $0x0;
	s5 =	sld [smem:$0x3FA4]  }
0x2b: {  	s6 =	sld [smem:$0x3FA5]  }
0x2c: {  	s7 =	sld [smem:$0x3FA6]  }
0x2d: {  	s3 =	simm.s32 $0x108;
	s8 =	sld [smem:$0x3FA7]  }
0x2e: {  	s3 =	simm.s32 @!p0 $0x1082;
	s9 =	sld [smem:$0x3FA8]  }
0x2f: {  	lr =	sadd.s32 s0, s3;
	s0 =	sld [smem:$0x3F9F]  }
0x30: {  	s3 =	sld [smem:$0x3FA2]  }
0x31: {  	[smem:$0x3FAB] =	sst s10  }
0x32: {  	s10 =	sld [smem:$0x3FA9];
	_ =	sdelay $0x3  }
0x33: {  	p0 =	seq.s32 s10, $0x1;
	s10 =	sld [smem:$0x3FAB];
	_ =	sdelay $0x3  }
0x34: {  	[smem:$0x3FAB] =	sst s10  }
0x35: {  	s10 =	sld [smem:$0x3FAA];
	_ =	sdelay $0x3  }
0x36: {  	p1 =	seq.s32 s10, $0x1;
	s10 =	sld [smem:$0x3FAB];
	_ =	sdelay $0x3  }
0x37: {  	[smem:$0x3FAB] =	sst s10  }
0x38: {  	s10 =	sld [smem:$0x3FAC]  }
0x39: {  	_ = 	snop;
	(pc) =	sbr.ind lr, $3  }
0x3a: {  	_ = 	snop  }
0x3b: {  	_ = 	snop  }
0x3c: {  	p2 =	seq.s32 s10, $0x1;
	s10 =	sld [smem:$0x3FAB]  }
0x3d: {  	_ =	shalt  }
0x3e: {  	_ =	shalt  }
0x3f: {  	_ =	shalt  }
0x40: {  	_ =	shalt  }
0x41: {  	_ =	shalt  }
0x42: {  	_ =	shalt  }
0x43: {  	_ =	shalt  }
0x44: {  	_ =	shalt  }
0x45: {  	_ =	shalt  }
0x46: {  	_ =	shalt  }
0x47: {  	_ =	shalt  }
0x48: {  	_ =	shalt  }
0x49: {  	_ =	shalt  }
0x4a: {  	_ =	shalt  }
0x4b: {  	_ =	shalt  }
0x4c: {  	_ =	shalt  }
0x4d: {  	_ =	shalt  }
0x4e: {  	_ =	shalt  }
0x4f: {  	_ =	shalt  }
0x50: {  	_ =	shalt  }
0x51: {  	_ =	shalt  }
0x52: {  	_ =	shalt  }
0x53: {  	_ =	shalt  }
0x54: {  	_ =	shalt  }
0x55: {  	_ =	shalt  }
0x56: {  	_ =	shalt  }
0x57: {  	_ =	shalt  }
0x58: {  	_ =	shalt  }
0x59: {  	_ =	shalt  }
0x5a: {  	_ =	shalt  }
0x5b: {  	_ =	shalt  }
0x5c: {  	_ =	shalt  }
0x5d: {  	_ =	shalt  }
0x5e: {  	_ =	shalt  }
0x5f: {  	_ =	shalt  }
0x60: {  	_ =	shalt  }
0x61: {  	_ =	shalt  }
0x62: {  	_ =	shalt  }
0x63: {  	_ =	shalt  }
0x64: {  	_ =	shalt  }
0x65: {  	_ =	shalt  }
0x66: {  	_ =	shalt  }
0x67: {  	_ =	shalt  }
0x68: {  	_ =	shalt  }
0x69: {  	_ =	shalt  }
0x6a: {  	_ =	shalt  }
0x6b: {  	_ =	shalt  }
0x6c: {  	_ =	shalt  }
0x6d: {  	_ =	shalt  }
0x6e: {  	_ =	shalt  }
0x6f: {  	_ =	shalt  }
0x70: {  	_ =	shalt  }
0x71: {  	_ =	shalt  }
0x72: {  	_ =	shalt  }
0x73: {  	_ =	shalt  }
0x74: {  	_ =	shalt  }
0x75: {  	_ =	shalt  }
0x76: {  	_ =	shalt  }
0x77: {  	_ =	shalt  }
0x78: {  	_ =	shalt  }
0x79: {  	_ =	shalt  }
0x7a: {  	_ =	shalt  }
0x7b: {  	_ =	shalt  }
0x7c: {  	_ =	shalt  }
0x7d: {  	_ =	shalt  }
0x7e: {  	_ =	shalt  }
0x7f: {  	_ =	shalt  }
0x80: {  	_ =	shalt  }
0x81: {  	_ =	shalt  }
0x82: {  	_ =	shalt  }
0x83: {  	_ =	shalt  }
0x84: {  	_ =	shalt  }
0x85: {  	_ =	shalt  }
0x86: {  	_ =	shalt  }
0x87: {  	_ =	shalt  }
.Lfunc_end0:
.L_simem_size_0:
called_computation.1_lowered:
.L_overlay_start_0:
0x88: {  	s2 =	sld [smem:$0x3FD9]  }
0x89: {  	s3 =	sld [smem:$0x3FFE];
	_ =	sdelay $0x1  }
0x8a: {  	s1 =	srdreg.scid  }
0x8b: {  	s0 =	sand.u32 $0x1, s1  }
0x8c: {  	s16 =	sshll.u32 s0, $0xA;
	s2 =	sadd.s32 s3, s2  }
0x8d: {  	s2 =	sadd.s32 s2, s16  }
0x8e: {  	[smem:$0x3FB7] =	sst s2  }
0x8f: {  	_ = 	snop  }
0x90: {  	(tm) =	ssettm $0x1  }
0x91: {  	s17 =	sld [smem:$0x3FFB];
	_ =	sdelay $0x3  }
0x92: {  	_ =	strace s17  }
0x93: {  	s2 =	sld [smem:$0x3FFC];
	_ =	sdelay $0x3  }
0x94: {  	_ =	strace s2  }
0x95: {  	s2 =	sld [smem:$0x3FFD];
	_ =	sdelay $0x3  }
0x96: {  	_ =	strace s2  }
0x97: {  	_ =	strace $0x8FFFFFFF  }
0x98: {  	s18 =	sld [smem:$0x3FDB];
	_ =	sdelay $0x1  }
0x99: {  	s19 =	simm.s32 $_scs_section_size  }
0x9a: {  	s4 =	simm.s32 $_size__tile_overlayer_lowered;
	s5 =	simm.s32 $_tile_overlayer_lowered  }
0x9b: {  	s22 =	simm.s32 $0x1BFF;
	s21 =	sshll.u32 s5, $0x1;
	s2 =	sadd.s32 s19, s18  }
0x9c: {  	s6 =	simm.s32 $0x0;
	s20 =	sshll.u32 s4, $0x1;
	s4 =	sadd.s32 s21, s2  }
0x9d: {  	[timem:s6], [sflag:s22] =	dma.local [hbm:s4], s20  }
0x9e: {  	_ =	swait.ge [sflag:s22], s20  }
0x9f: {  	s3 =	ssub.s32 $0x0, s20;
	[sflag:s22] =	ssyncset.done $0x0  }
0xa0: {  	[sflag:s22] =	ssyncadd.s32 s3;
	_ =	sdelay $0x1  }
0xa1: {  	s23 =	simm.s32 $0x1B8B  }
0xa2: {  	_ =	swait.ge [sflag:s23], $0x1  }
0xa3: {  	[sflag:s23] =	ssyncset.done $0x0  }
0xa4: {  	s25 =	simm.s32 $0x1B8E;
	s24 =	sld [smem:$0x3FFE];
	[sflag:s23] =	ssyncadd.s32 $0xFFFFFFFF  }
0xa5: {  	s26 =	simm.s32 $execute0_lowered;
	[smem:$0x3FD2] =	sst s25  }
0xa6: {  	s4 =	sshll.u32 s26, $0x1;
	_ =	strace $0x80000049;
	[dreg:$0x1] =	wrdreg $0xFFFFFFFF  }
0xa7: {  	s28 =	simm.s32 $_size_execute0_lowered;
	s2 =	sadd.s32 s2, s4;
	[dreg:$0x0] =	wrdreg $0x0  }
0xa8: {  	s4 =	sshll.u32 s28, $0x1;
	[dreg:$0x2] =	wrdreg s2  }
0xa9: {  	[dreg:$0x3] =	wrdreg s4  }
0xaa: {  	[dreg:$0x4] =	wrdreg $0xC0  }
0xab: {  	_ =	task [dreg:s6], $0x5FFFF  }
0xac: {  	[dreg:$0x1] =	wrdreg $0xFFFFFFFF  }
0xad: {  	[dreg:$0x0] =	wrdreg $0x60  }
0xae: {  	[dreg:$0x2] =	wrdreg s24  }
0xaf: {  	[dreg:$0x3] =	wrdreg $0x0  }
0xb0: {  	[dreg:$0x4] =	wrdreg $0x9E000  }
0xb1: {  	[dreg:$0x5] =	wrdreg $0x9  }
0xb2: {  	_ =	task.clear_ibuf [dreg:s6], $0x6FFFF;
	_ =	strace $0x90000049  }
0xb3: {  	s29 =	simm.s32 $0x9;
	_ =	strace $0x8000004B  }
0xb4: {  	_ =	swait.ge [sflag:s29], $0x1  }
0xb5: {  	[sflag:s29] =	ssyncadd.s32 $0xFFFFFFFF  }
0xb6: {  	_ =	strace $0x9000004B  }
0xb7: {  	_ =	sfence  }
0xb8: {  	s30 =	sld [smem:$0x0];
	_ =	sdelay $0x2  }
0xb9: {  	s31 =	sshll.u32 s1, $0xD;
	s1 =	sshrl.u32 s1, $0x2  }
0xba: {  	s3 =	sand.u32 $0x4000, s31;
	s1 =	sadd.s32 s1, s30  }
0xbb: {  	s0 =	sor.u32 s3, s0;
	s1 =	sshll.u32 s1, $0x11  }
0xbc: {  	s0 =	sor.u32 s1, s0  }
0xbd: {  	s0 =	sadd.s32 $0x8F2B, s0  }
0xbe: {  	[sflag:s0] =	ssyncadd.remote.s32 $0x1  }
0xbf: {  	_ =	sfence.sel $0xFFFF  }
0xc0: {  	[dreg:$0x0] =	wrdreg $0xFFFFFFFF;
	(pc) =	sbr.abs _section_cstart, $3  }
0xc1: {  	[dreg:$0x1] =	wrdreg $0xFFFFFFFF  }
0xc2: {  	_ =	task.clear_ibuf [dreg:s6], $0x2FFFF;
	_ =	strace $0x9FFFFFFF  }
0xc3: {  	(tm) =	ssettm $0x7FFFFFFF  }
tec
execute0_lowered:
.L_overlay_start_1:
0x0: {  	(tag) =	ssettag $0x1  }
0x1: {  	s5 =	rddreg [dreg:$0x0]  }
0x2: {  	s1 =	rddreg [dreg:$0x1]  }
0x3: {  	s2 =	rddreg [dreg:$0x2]  }
0x4: {  	s3 =	srdreg.scid;
	s0 =	rddreg [dreg:$0x3]  }
0x5: {  	s4 =	simm.s32 $0x0;
	s12 =	simm.s32 $0x16400;
	s16 =	simm.s32 $0x80  }
0x6: {  	s17 =	simm.s32 $0x18C00;
	s18 =	simm.s32 $0x1;
	s19 =	simm.s32 $0x1AC00  }
0x7: {  	s20 =	simm.s32 $0x2;
	s21 =	simm.s32 $0x16380;
	s22 =	simm.s32 $0x18B00  }
0x8: {  	s23 =	simm.s32 $0x18B80;
	s6 =	sand.u32 $0x1, s3;
	s3 =	stileid.u32  }
0x9: {  	[smem:$0x7FF] =	sst s4;
	s7 =	sshll.u32 s6, $0x4;
	s8 =	smul.u32 $0x9E00, s3  }
0xa: {  	_ =	strace $0x8000004A;
	s9 =	smul.u32 $0x13C00, s6;
	s6 =	ssub.s32 $0x2, s6  }
0xb: {  	s13 =	sshll.u32 s3, $0x6;
	s7 =	sor.u32 s3, s7;
	s11 =	sshrl.u32 s6, $0x1  }
0xc: {  	s13 =	sor.u32 $0x1C03, s13;
	s7 =	smul.u32 $0x500, s7;
	s24 =	sshrl.u32 s8, $0x3  }
0xd: {  	s9 =	sadd.s32 s9, s5;
	s11 =	ssub.s32 s6, s11;
	s14 =	sadd.s32 s8, s1  }
0xe: {  	s15 =	sadd.s32 s8, s2;
	s10 =	sadd.s32 s24, s5;
	s25 =	sadd.s32 $0x51A00, s9  }
0xf: {  	s9 =	smax.u32 s11, $0x1;
	s11 =	simm.s32 $0x3;
	s14 =	sshrl.u32 s14, $0x3  }
0x10: {  	s15 =	sshrl.u32 s15, $0x3;
	s7 =	sadd.s32 s7, s5;
	s8 =	sadd.s32 $0x3DE00, s10  }
0x11: {  	s24 =	sadd.s32 s24, s25;
	s25 =	simm.s32 $0x0;
	s5 =	sadd.s32 $0x33E00, s7  }
0x12: {  	s6 =	sadd.s32 $0x29E00, s7;
	s7 =	sadd.s32 $0x2600, s10;
	s10 =	simm.s32 $0x13C00  }
.LBB2_1:
0x13: {  	[tilespmem:s10], [sflag:$0x3] =	stream.linear.gather [hbm4b:s5+s4], $0x2800, $0x38;
	[tilespmem:$0x1CC00] =	vst v63  }
0x14: {  	_ =	swait.ge [sflag:s11], $0x2800  }
0x15: {  	[sflag:s11] =	ssyncset.done $0x0  }
0x16: {  	[sflag:s11] =	ssyncadd.s32 $0xFFFFD800  }
0x17: {  	[tilespmem:s12], [sflag:$0x3] =	stream.linear.gather [hbm4b:s6+s4], $0x2800, $0x38;
	[tilespmem:$0x1CC00] =	vst v63  }
0x18: {  	_ =	swait.ge [sflag:s11], $0x2800  }
0x19: {  	[sflag:s11] =	ssyncset.done $0x0  }
0x1a: {  	[sflag:s11] =	ssyncadd.s32 $0xFFFFD800  }
0x1b: {  	[spmem:s14], [sflag:s13] =	dma.local [hbm:s7], $0x13C0  }
0x1c: {  	_ =	swait.ge [sflag:s11], $0x13C0  }
0x1d: {  	[sflag:s11] =	ssyncset.done $0x0  }
0x1e: {  	[sflag:s11] =	ssyncadd.s32 $0xFFFFEC40  }
0x1f: {  	[spmem:s15], [sflag:s13] =	dma.local [hbm:s8], $0x13C0  }
0x20: {  	_ =	swait.ge [sflag:s11], $0x13C0  }
0x21: {  	[sflag:s11] =	ssyncset.done $0x0  }
0x22: {  	[sflag:s11] =	ssyncadd.s32 $0xFFFFEC40  }
0x23: {  	[bflag:$0x0] =	sbarrier.arrive $0xFFFF  }
0x24: {  	[tilespmem:s17], [sflag:$0x1] =	stream.indirect.gather [spmem:s1], $0x40, s10, s16, $0xb8;
	[tilespmem:$0x1CC00] =	vst v63  }
0x25: {  	_ =	swait.ge [sflag:s18], $0x2000  }
0x26: {  	[sflag:s18] =	ssyncset.done $0x0  }
0x27: {  	s26 =	simm.s32 $0x13C80;
	[sflag:s18] =	ssyncadd.s32 $0xFFFFE000  }
0x28: {  	[tilespmem:s19], [sflag:$0x2] =	stream.indirect.gather [spmem:s1], $0x40, s26, s16, $0xb8;
	[tilespmem:$0x1CC00] =	vst v63  }
0x29: {  	s29 =	simm.s32 $0x16400  }
0x2a: {  	[spmem:s2] =	stream.indirect.scatter.add.f32 [tilespmem:s17], [sflag:$0x3], $0x40, s29, s16, $0xb8;
	[tilespmem:$0x1CC00] =	vst v63  }
0x2b: {  	_ =	swait.ge [sflag:s11], $0x2000  }
0x2c: {  	[sflag:s11] =	ssyncset.done $0x0  }
0x2d: {  	[sflag:s11] =	ssyncadd.s32 $0xFFFFE000  }
0x2e: {  	_ =	swait.ge [sflag:s20], $0x2000  }
0x2f: {  	[sflag:s20] =	ssyncset.done $0x0  }
0x30: {  	s30 =	simm.s32 $0x13D00;
	[sflag:s20] =	ssyncadd.s32 $0xFFFFE000  }
0x31: {  	[tilespmem:s17], [sflag:$0x1] =	stream.indirect.gather [spmem:s1], $0x40, s30, s16, $0xb8;
	[tilespmem:$0x1CC00] =	vst v63  }
0x32: {  	s31 =	simm.s32 $0x16480  }
0x33: {  	[spmem:s2] =	stream.indirect.scatter.add.f32 [tilespmem:s19], [sflag:$0x3], $0x40, s31, s16, $0xb8;
	[tilespmem:$0x1CC00] =	vst v63  }
0x34: {  	_ =	swait.ge [sflag:s11], $0x2000  }
0x35: {  	s26 =	simm.s32 $0x400;
	[sflag:s11] =	ssyncset.done $0x0  }
.LBB2_2:
0x36: {  	p0 =	sne.s32 s26, $0x9800  }
0x37: {  	[sflag:s11] =	ssyncadd.s32 $0xFFFFE000;
	s28 =	smov.u32 s26;
	s26 =	sadd.s32 $0x400, s26  }
0x38: {  	_ = 	snop  }
0x39: {  	_ =	swait.ge [sflag:s18], $0x2000  }
0x3a: {  	s28 =	sshra.s32 s28, $0x2;
	[sflag:s18] =	ssyncset.done $0x0  }
0x3b: {  	s29 =	sadd.s32 $0x13C80, s28;
	[sflag:s18] =	ssyncadd.s32 $0xFFFFE000  }
0x3c: {  	[tilespmem:s19], [sflag:$0x2] =	stream.indirect.gather [spmem:s1], $0x40, s29, s16, $0xb8;
	[tilespmem:$0x1CC00] =	vst v63  }
0x3d: {  	s29 =	sadd.s32 $0x16400, s28  }
0x3e: {  	[spmem:s2] =	stream.indirect.scatter.add.f32 [tilespmem:s17], [sflag:$0x3], $0x40, s29, s16, $0xb8;
	[tilespmem:$0x1CC00] =	vst v63  }
0x3f: {  	_ =	swait.ge [sflag:s11], $0x2000  }
0x40: {  	[sflag:s11] =	ssyncset.done $0x0  }
0x41: {  	[sflag:s11] =	ssyncadd.s32 $0xFFFFE000  }
0x42: {  	_ =	swait.ge [sflag:s20], $0x2000  }
0x43: {  	[sflag:s20] =	ssyncset.done $0x0  }
0x44: {  	s29 =	sadd.s32 $0x13D00, s28;
	[sflag:s20] =	ssyncadd.s32 $0xFFFFE000  }
0x45: {  	[tilespmem:s17], [sflag:$0x1] =	stream.indirect.gather [spmem:s1], $0x40, s29, s16, $0xb8;
	[tilespmem:$0x1CC00] =	vst v63  }
.Ltmp0:
0x46: {  	_ = 	snop;
	(pc) =	sbr.rel @p0 .LBB2_2-.Ltmp0, $4  }
0x47: {  	s28 =	sadd.s32 $0x16480, s28  }
0x48: {  	[spmem:s2] =	stream.indirect.scatter.add.f32 [tilespmem:s19], [sflag:$0x3], $0x40, s28, s16, $0xb8;
	[tilespmem:$0x1CC00] =	vst v63  }
0x49: {  	_ =	swait.ge [sflag:s11], $0x2000  }
0x4a: {  	[sflag:s11] =	ssyncset.done $0x0  }
0x4b: {  	[sflag:s11] =	ssyncadd.s32 $0xFFFFE000  }
0x4c: {  	_ =	swait.ge [sflag:s18], $0x2000  }
0x4d: {  	[sflag:s18] =	ssyncset.done $0x0  }
0x4e: {  	[sflag:s18] =	ssyncadd.s32 $0xFFFFE000  }
0x4f: {  	[tilespmem:s19], [sflag:$0x2] =	stream.indirect.gather [spmem:s1], $0x40, s21, s16, $0xb8;
	[tilespmem:$0x1CC00] =	vst v63  }
0x50: {  	_ = 	snop  }
0x51: {  	[spmem:s2] =	stream.indirect.scatter.add.f32 [tilespmem:s17], [sflag:$0x3], $0x40, s22, s16, $0xb8;
	[tilespmem:$0x1CC00] =	vst v63  }
0x52: {  	_ =	swait.ge [sflag:s11], $0x2000  }
0x53: {  	[sflag:s11] =	ssyncset.done $0x0  }
0x54: {  	[sflag:s11] =	ssyncadd.s32 $0xFFFFE000  }
0x55: {  	_ =	swait.ge [sflag:s20], $0x2000  }
0x56: {  	[sflag:s20] =	ssyncset.done $0x0  }
0x57: {  	[sflag:s20] =	ssyncadd.s32 $0xFFFFE000  }
0x58: {  	[tilespmem:s17], [sflag:$0x1] =	stream.indirect.gather [spmem:s1], $0x40, s21, s16, $0xb8;
	[tilespmem:$0x1CC00] =	vst v63  }
0x59: {  	_ = 	snop  }
0x5a: {  	[spmem:s2] =	stream.indirect.scatter.add.f32 [tilespmem:s19], [sflag:$0x3], $0x40, s23, s16, $0xb8;
	[tilespmem:$0x1CC00] =	vst v63  }
0x5b: {  	_ =	swait.ge [sflag:s11], $0x2000  }
0x5c: {  	[sflag:s11] =	ssyncset.done $0x0  }
0x5d: {  	[sflag:s11] =	ssyncadd.s32 $0xFFFFE000  }
0x5e: {  	_ =	swait.ge [sflag:s18], $0x2000  }
0x5f: {  	s25 =	sadd.s32 $0x1, s25;
	[sflag:s18] =	ssyncset.done $0x0  }
0x60: {  	p0 =	sne.s32 s25, s9;
	[sflag:s18] =	ssyncadd.s32 $0xFFFFE000  }
.Ltmp1:
0x61: {  	[bflag:$0x0] =	sbarrier.arrive $0xFFFF;
	(pc) =	sbr.rel @p0 .LBB2_1-.Ltmp1, $4  }
0x62: {  	[hbm:s24], [sflag:s13] =	dma.local [spmem:s15], $0x13C0  }
0x63: {  	_ =	swait.ge [sflag:s11], $0x13C0  }
0x64: {  	[sflag:s11] =	ssyncset.done $0x0  }
0x65: {  	[sflag:s11] =	ssyncadd.s32 $0xFFFFEC40  }
0x66: {  	_ =	sfence.sel $0x180000  }
0x67: {  	[bflag:$0x0] =	sbarrier.arrive $0xFFFF  }
0x68: {  	p0 =	sne.s32 s3, $0x0;
	_ =	strace $0x9000004A  }
0x69: {  	s0 =	sadd.s32 @!p0 $0x100000, s0;
	[bflag:$0x2] =	sbarrier.arrive $0xFFFF  }
0x6a: {  	[sflag:s0] =	ssyncadd.tile.s32 @!p0 $0x1;
	_ =	shalt  }
.Lfunc_end2:
_tile_overlayer_lowered:
.L_overlay_start_2:
0x6b: {  	(tag) =	ssettag $0x2  }
0x6c: {  	s0 =	rddreg [dreg:$0x0];
	s2 =	stileid.u32  }
0x6d: {  	s1 =	rddreg [dreg:$0x1];
	p0 =	sne.s32 s2, $0x0  }
0x6e: {  	s3 =	rddreg [dreg:$0x2];
	[bflag:$0x3] =	sbarrier.arrive $0xFFFF;
	s2 =	simm.s32 @!p0 $0x1C03  }
0x6f: {  	[timem:s3], [sflag:s2] =	dma.local @!p0 [hbm:s0], s1  }
0x70: {  	s0 =	simm.s32 @!p0 $0x3  }
0x71: {  	_ =	swait.ge @!p0 [sflag:s0], s1  }
0x72: {  	s1 =	ssub.s32 @!p0 $0x0, s1;
	[sflag:s0] =	ssyncset.done @!p0 $0x0  }
0x73: {  	[sflag:s0] =	ssyncadd.s32 @!p0 s1  }
0x74: {  	[bflag:$0x3] =	sbarrier.arrive $0xFFFF  }
0x75: {  	_ =	shalt  }

</sc_bundles>
